<compile_context>
chip_gen: v7x
topology: tpu7x:2x2x1
jax: 0.10.2.dev20260603
libtpu: 0.0.44.dev20260713+nightly
codegen_flags: <defaults>
</compile_context>

<pallas_src>
import jax
import jax.numpy as jnp
from jax import lax
from jax.experimental import pallas as pl
from jax.experimental.pallas import tpu as pltpu
from jax.experimental.pallas import tpu_sc as plsc

NODE_IN = 256
EDGE_IN = 16
LEAK = 0.1
N_NODES = 10000
N_EDGES = 160000
H1 = 64


def _lrelu(v):
    return jnp.where(v >= 0, v, LEAK * v)


_E_STEPS = 5
_E_BLK = N_EDGES // _E_STEPS


def _estats_body(e_ref, ge_ref, be_ref, se_ref, te_ref, acce_ref):
    i = pl.program_id(0)

    @pl.when(i == 0)
    def _init():
        acce_ref[...] = jnp.zeros_like(acce_ref)

    eb = e_ref[...]
    acce_ref[0:1, :] += jnp.sum(eb, axis=0, keepdims=True)
    acce_ref[1:2, :] += jnp.sum(eb * eb, axis=0, keepdims=True)

    @pl.when(i == _E_STEPS - 1)
    def _finish():
        mu_e = acce_ref[0:1, :] / N_EDGES
        var_e = acce_ref[1:2, :] / N_EDGES - mu_e * mu_e
        se = ge_ref[...] * lax.rsqrt(var_e + 1e-5)
        se_ref[...] = se
        te_ref[...] = be_ref[...] - mu_e * se


def _run_estats(e, ge, be):
    const = lambda *_: (0, 0)
    return pl.pallas_call(
        _estats_body,
        grid=(_E_STEPS,),
        in_specs=[
            pl.BlockSpec((_E_BLK, EDGE_IN), lambda i: (i, 0)),
            pl.BlockSpec((1, EDGE_IN), const),
            pl.BlockSpec((1, EDGE_IN), const),
        ],
        out_specs=(
            pl.BlockSpec((1, EDGE_IN), const),
            pl.BlockSpec((1, EDGE_IN), const),
        ),
        out_shape=(
            jax.ShapeDtypeStruct((1, EDGE_IN), jnp.float32),
            jax.ShapeDtypeStruct((1, EDGE_IN), jnp.float32),
        ),
        scratch_shapes=[pltpu.VMEM((2, EDGE_IN), jnp.float32)],
    )(e, ge, be)


def _proj_body(x_ref, gn_ref, bn_ref, w1r_ref, w1c_ref, b1_ref,
               t_ref, b1e_ref):
    x = x_ref[...]
    mu = jnp.mean(x, axis=0, keepdims=True)
    xm = x - mu
    var = jnp.mean(xm * xm, axis=0, keepdims=True)
    sx = gn_ref[...] * lax.rsqrt(var + 1e-5)
    tx = bn_ref[...] - mu * sx
    xbn = x * sx + tx
    w1r = w1r_ref[...]
    w1c = w1c_ref[...]
    xr = jnp.dot(xbn, w1r, preferred_element_type=jnp.float32)
    xc = jnp.dot(xbn, w1c, preferred_element_type=jnp.float32)
    t_ref[...] = jnp.concatenate([xr, xc], axis=1)
    b1e_ref[...] = (b1_ref[...]
                    + jnp.dot(tx, w1r, preferred_element_type=jnp.float32)
                    + jnp.dot(tx, w1c, preferred_element_type=jnp.float32))


def _run_proj(x, gn, bn, w1r_t, w1c_t, b1):
    return pl.pallas_call(
        _proj_body,
        out_shape=(
            jax.ShapeDtypeStruct((N_NODES, 2 * H1), jnp.float32),
            jax.ShapeDtypeStruct((1, H1), jnp.float32),
        ),
    )(x, gn, bn, w1r_t, w1c_t, b1)


_NW = 32
_GC = 128


def _make_gather_body(epw, nfull, rem):
    def _gather_body(tab_hbm, row_hbm, col_hbm, gsum_hbm,
                     idx_row, idx_col, br0, br1, bc0, bc1, ob0, ob1,
                     sem_r0, sem_r1, sem_c0, sem_c1, sem_o0, sem_o1):
        wid = lax.axis_index("s") * 2 + lax.axis_index("c")
        base0 = wid * epw
        pltpu.sync_copy(row_hbm.at[pl.ds(base0, epw)], idx_row)
        pltpu.sync_copy(col_hbm.at[pl.ds(base0, epw)], idx_col)

        brs = (br0, br1)
        bcs = (bc0, bc1)
        obs = (ob0, ob1)
        sem_rs = (sem_r0, sem_r1)
        sem_cs = (sem_c0, sem_c1)
        sem_os = (sem_o0, sem_o1)

        def fire(j, b):
            sl = pl.ds(j * _GC, _GC)
            pltpu.async_copy(tab_hbm.at[idx_row.at[sl]], brs[b], sem_rs[b])
            pltpu.async_copy(tab_hbm.at[idx_col.at[sl]], bcs[b], sem_cs[b])

        def wait_gather(b):
            sl = pl.ds(0, _GC)
            pltpu.make_async_copy(tab_hbm.at[idx_row.at[sl]], brs[b],
                                  sem_rs[b]).wait()
            pltpu.make_async_copy(tab_hbm.at[idx_col.at[sl]], bcs[b],
                                  sem_cs[b]).wait()

        def wait_out(b):
            pltpu.make_async_copy(obs[b],
                                  gsum_hbm.at[pl.ds(base0, _GC)],
                                  sem_os[b]).wait()

        def process(j, b):
            def row_add(r, carry):
                for q in range(H1 // 16):
                    obs[b][r, pl.ds(q * 16, 16)] = (
                        brs[b][r, pl.ds(q * 16, 16)]
                        + bcs[b][r, pl.ds(H1 + q * 16, 16)])
                return carry
            lax.fori_loop(0, _GC, row_add, 0)
            pltpu.async_copy(obs[b],
                             gsum_hbm.at[pl.ds(base0 + j * _GC, _GC)],
                             sem_os[b])

        fire(0, 0)
        fire(1, 1)

        def outer(j0, carry):
            for b in range(2):
                j = 2 * j0 + b
                wait_gather(b)

                @pl.when(j >= 2)
                def _():
                    wait_out(b)
                process(j, b)

                @pl.when(j + 2 < nfull)
                def _():
                    fire(j + 2, b)
            return carry

        lax.fori_loop(0, (nfull - 1) // 2, outer, 0)

        j_last = nfull - 1
        wait_gather(0)
        wait_out(0)
        process(j_last, 0)

        sl = pl.ds(nfull * _GC, rem)
        rem_r = br1.at[pl.ds(0, rem)]
        rem_c = bc1.at[pl.ds(0, rem)]
        wait_out(1)
        pltpu.async_copy(tab_hbm.at[idx_row.at[sl]], rem_r, sem_r1)
        pltpu.async_copy(tab_hbm.at[idx_col.at[sl]], rem_c, sem_c1)
        pltpu.make_async_copy(tab_hbm.at[idx_row.at[sl]], rem_r,
                              sem_r1).wait()
        pltpu.make_async_copy(tab_hbm.at[idx_col.at[sl]], rem_c,
                              sem_c1).wait()

        def rem_add(r, carry):
            for q in range(H1 // 16):
                ob1[r, pl.ds(q * 16, 16)] = (
                    br1[r, pl.ds(q * 16, 16)]
                    + bc1[r, pl.ds(H1 + q * 16, 16)])
            return carry
        lax.fori_loop(0, rem, rem_add, 0)
        pltpu.sync_copy(ob1.at[pl.ds(0, rem)],
                        gsum_hbm.at[pl.ds(base0 + nfull * _GC, rem)])
        wait_out(0)

    return _gather_body


def _run_gather(tab, row, col):
    n = row.shape[0]
    epw = n // _NW
    nfull = epw // _GC
    rem = epw - nfull * _GC
    assert n % (_NW * 8) == 0 and nfull % 2 == 1 and rem % 2 == 0 and rem > 0
    mesh = plsc.VectorSubcoreMesh(core_axis_name="c", subcore_axis_name="s",
                                  num_cores=2, num_subcores=16)
    fn = pl.kernel(
        _make_gather_body(epw, nfull, rem),
        out_type=jax.ShapeDtypeStruct((n, H1), jnp.float32),
        mesh=mesh,
        scratch_types=[
            pltpu.VMEM((epw,), jnp.int32),
            pltpu.VMEM((epw,), jnp.int32),
            pltpu.VMEM((_GC, 2 * H1), jnp.float32),
            pltpu.VMEM((_GC, 2 * H1), jnp.float32),
            pltpu.VMEM((_GC, 2 * H1), jnp.float32),
            pltpu.VMEM((_GC, 2 * H1), jnp.float32),
            pltpu.VMEM((_GC, H1), jnp.float32),
            pltpu.VMEM((_GC, H1), jnp.float32),
            pltpu.SemaphoreType.DMA,
            pltpu.SemaphoreType.DMA,
            pltpu.SemaphoreType.DMA,
            pltpu.SemaphoreType.DMA,
            pltpu.SemaphoreType.DMA,
            pltpu.SemaphoreType.DMA,
        ],
    )
    return fn(tab, row, col)


_MLP_BLK = 8192


def _mlp_body(gsum_ref, e_ref, se_ref, te_ref, w1e_ref, b1_ref,
              w2_ref, b2_ref, w3_ref, b3_ref, w4_ref, b4_ref,
              w5_ref, b5_ref, out_ref):
    ebn = e_ref[...] * se_ref[...] + te_ref[...]
    h = gsum_ref[...] + b1_ref[...] + jnp.dot(
        ebn, w1e_ref[...], preferred_element_type=jnp.float32)
    h = _lrelu(h)
    h = _lrelu(jnp.dot(h, w2_ref[...],
                       preferred_element_type=jnp.float32) + b2_ref[...])
    h = _lrelu(jnp.dot(h, w3_ref[...],
                       preferred_element_type=jnp.float32) + b3_ref[...])
    h = _lrelu(jnp.dot(h, w4_ref[...],
                       preferred_element_type=jnp.float32) + b4_ref[...])
    out_ref[...] = jnp.dot(h, w5_ref[...],
                           preferred_element_type=jnp.float32) + b5_ref[...]


def _run_mlp(gsum, e, se, te, w1e_t, b1_eff, w2_t, b2, w3_t, b3, w4_t, b4,
             w5_t, b5):
    n = gsum.shape[0]
    const = lambda *_: (0, 0)
    return pl.pallas_call(
        _mlp_body,
        grid=((n + _MLP_BLK - 1) // _MLP_BLK,),
        in_specs=[
            pl.BlockSpec((_MLP_BLK, H1), lambda i: (i, 0)),
            pl.BlockSpec((_MLP_BLK, EDGE_IN), lambda i: (i, 0)),
            pl.BlockSpec((1, EDGE_IN), const),
            pl.BlockSpec((1, EDGE_IN), const),
            pl.BlockSpec((EDGE_IN, H1), const),
            pl.BlockSpec((1, H1), const),
            pl.BlockSpec((H1, 32), const),
            pl.BlockSpec((1, 32), const),
            pl.BlockSpec((32, 16), const),
            pl.BlockSpec((1, 16), const),
            pl.BlockSpec((16, 8), const),
            pl.BlockSpec((1, 8), const),
            pl.BlockSpec((8, 2), const),
            pl.BlockSpec((1, 2), const),
        ],
        out_specs=pl.BlockSpec((_MLP_BLK, 2), lambda i: (i, 0)),
        out_shape=jax.ShapeDtypeStruct((n, 2), jnp.float32),
    )(gsum, e, se, te, w1e_t, b1_eff, w2_t, b2, w3_t, b3, w4_t, b4,
      w5_t, b5)


def kernel(x, edge_index, e, xbatch, bn_node_gamma, bn_node_beta,
           bn_edge_gamma, bn_edge_beta, W1, b1, W2, b2, W3, b3, W4, b4,
           W5, b5):
    x = x.reshape(-1, NODE_IN)
    e = e.reshape(-1, EDGE_IN)
    row = edge_index[0]
    col = edge_index[1]

    w1r_t = W1[:, :NODE_IN].T
    w1c_t = W1[:, NODE_IN:2 * NODE_IN].T
    w1e_t = W1[:, 2 * NODE_IN:].T
    gn = bn_node_gamma.reshape(1, NODE_IN)
    bn = bn_node_beta.reshape(1, NODE_IN)
    ge = bn_edge_gamma.reshape(1, EDGE_IN)
    be = bn_edge_beta.reshape(1, EDGE_IN)

    tab, b1_eff = _run_proj(x, gn, bn, w1r_t, w1c_t, b1.reshape(1, H1))
    gsum = _run_gather(tab, row, col)
    se, te = _run_estats(e, ge, be)
    return _run_mlp(
        gsum, e, se, te, w1e_t, b1_eff,
        W2.T, b2.reshape(1, -1), W3.T, b3.reshape(1, -1),
        W4.T, b4.reshape(1, -1), W5.T, b5.reshape(1, -1))

# --- scband reference (transcript-rebuilt; emitter-appended) ---
"""Pipeline reference for scband-edge-node-only-model-14431090115262 (READ-ONLY COPY).

The authoritative reference and input builder live on the scoring server;
editing this copy changes nothing except your own understanding.
"""

import jax, jax.numpy as jnp
import numpy as np

NODE_IN = 256
EDGE_IN = 16
LEAK = 0.1
N_NODES = 10000
N_EDGES = 160000
LAYER_DIMS = [(2 * NODE_IN + EDGE_IN, 64), (64, 32), (32, 16), (16, 8), (8, 2)]


def _linear_params(key, fan_in, fan_out):
    k1, k2 = jax.random.split(key)
    bound = 1.0 / np.sqrt(fan_in)
    W = jax.random.uniform(k1, (fan_out, fan_in), minval=-bound, maxval=bound, dtype=jnp.float32)
    b = jax.random.uniform(k2, (fan_out,), minval=-bound, maxval=bound, dtype=jnp.float32)
    return W, b


def setup_inputs(seed: int = 0):
    key = jax.random.key(seed)
    ks = jax.random.split(key, 8)
    inp = {}
    inp["x"] = jax.random.normal(ks[0], (N_NODES, NODE_IN), dtype=jnp.float32)
    inp["edge_index"] = jax.random.randint(ks[1], (2, N_EDGES), 0, N_NODES, dtype=jnp.int32)
    inp["e"] = jax.random.normal(ks[2], (N_EDGES, EDGE_IN), dtype=jnp.float32)
    inp["xbatch"] = jnp.zeros((N_NODES,), dtype=jnp.int32)
    inp["bn_node_gamma"] = jnp.ones((NODE_IN,), dtype=jnp.float32)
    inp["bn_node_beta"] = jnp.zeros((NODE_IN,), dtype=jnp.float32)
    inp["bn_edge_gamma"] = jnp.ones((EDGE_IN,), dtype=jnp.float32)
    inp["bn_edge_beta"] = jnp.zeros((EDGE_IN,), dtype=jnp.float32)
    wkey = ks[3]
    for i, (fi, fo) in enumerate(LAYER_DIMS):
        wkey, sub = jax.random.split(wkey)
        W, b = _linear_params(sub, fi, fo)
        inp["W%d" % (i + 1)] = W
        inp["b%d" % (i + 1)] = b
    return inp


def _batchnorm(v, g, b):
    mu = jnp.mean(v, axis=0, keepdims=True)
    var = jnp.var(v, axis=0, keepdims=True)
    return (v - mu) / jnp.sqrt(var + 1e-5) * g + b


def _lrelu(v):
    return jnp.where(v >= 0, v, LEAK * v)


def reference(x, edge_index, e, xbatch, bn_node_gamma, bn_node_beta, bn_edge_gamma, bn_edge_beta, W1, b1, W2, b2, W3, b3, W4, b4, W5, b5):
    x = x.reshape(-1, NODE_IN)
    e = e.reshape(-1, EDGE_IN)
    e = _batchnorm(e, bn_edge_gamma, bn_edge_beta)
    x = _batchnorm(x, bn_node_gamma, bn_node_beta)
    row = edge_index[0]
    col = edge_index[1]
    h = jnp.concatenate([x[row], x[col], e], axis=1)
    h = _lrelu(h @ W1.T + b1)
    h = _lrelu(h @ W2.T + b2)
    h = _lrelu(h @ W3.T + b3)
    h = _lrelu(h @ W4.T + b4)
    edge_pred = h @ W5.T + b5
    return edge_pred

if __name__ == "__main__":
    import jax
    _d = setup_inputs()
    print(jax.jit(kernel)(*tuple(_d.values())))

</pallas_src>

<mosaic_0001>
#map = affine_map<(d0, d1) -> (0, 0)>
#map1 = affine_map<(d0, d1) -> (0)>
module attributes {stable_mosaic.version = 14 : i64} {
  func.func @_gather_body(%arg0: i32, %arg1: i32, %arg2: memref<10000x128xf32, #tpu.memory_space<hbm>>, %arg3: memref<160000xi32, #tpu.memory_space<hbm>>, %arg4: memref<160000xi32, #tpu.memory_space<hbm>>, %arg5: memref<160000x64xf32, #tpu.memory_space<hbm>>, %arg6: memref<5000xi32, #tpu.memory_space<vmem>>, %arg7: memref<5000xi32, #tpu.memory_space<vmem>>, %arg8: memref<128x128xf32, #tpu.memory_space<vmem>>, %arg9: memref<128x128xf32, #tpu.memory_space<vmem>>, %arg10: memref<128x128xf32, #tpu.memory_space<vmem>>, %arg11: memref<128x128xf32, #tpu.memory_space<vmem>>, %arg12: memref<128x64xf32, #tpu.memory_space<vmem>>, %arg13: memref<128x64xf32, #tpu.memory_space<vmem>>, %arg14: memref<!tpu.dma_semaphore, #tpu.memory_space<semaphore_mem>>, %arg15: memref<!tpu.dma_semaphore, #tpu.memory_space<semaphore_mem>>, %arg16: memref<!tpu.dma_semaphore, #tpu.memory_space<semaphore_mem>>, %arg17: memref<!tpu.dma_semaphore, #tpu.memory_space<semaphore_mem>>, %arg18: memref<!tpu.dma_semaphore, #tpu.memory_space<semaphore_mem>>, %arg19: memref<!tpu.dma_semaphore, #tpu.memory_space<semaphore_mem>>) attributes {dimension_semantics = [#tpu.dimension_semantics<core_parallel>, #tpu.dimension_semantics<subcore_parallel>], iteration_bounds = array<i64: 2, 16>, scalar_prefetch = 0 : i64, scratch_operands = 14 : i64, tpu.core_type = #tpu.core_type<sc_vector_subcore>, window_params = [{transform_indices = #map}, {transform_indices = #map1}, {transform_indices = #map1}, {transform_indices = #map}]} {
    %mul3A = arith.constant 2 : i32
    %mul3A_0 = arith.muli %arg1, %mul3A : i32
    %add3A = arith.addi %mul3A_0, %arg0 : i32
    %mul3A_1 = arith.constant 5000 : i32
    %mul3A_2 = arith.muli %add3A, %mul3A_1 : i32
    "tpu.region"() ({
      %run_scoped3A = tpu.sem_alloc : memref<!tpu.dma_semaphore, #tpu.memory_space<semaphore_mem>>
      %dma_start3A_100 = tpu.memref_slice %arg3[%mul3A_2] : memref<160000xi32, #tpu.memory_space<hbm>> -> memref<5000xi32, #tpu.memory_space<hbm>>
      %dma_start3A_101 = tpu.memref_slice %arg3[%mul3A_2] : memref<160000xi32, #tpu.memory_space<hbm>> -> memref<5000xi32, #tpu.memory_space<hbm>>
      tpu.enqueue_dma source(%dma_start3A_101 : memref<5000xi32, #tpu.memory_space<hbm>>) target(%arg6 : memref<5000xi32, #tpu.memory_space<vmem>>) target_semaphore(%run_scoped3A : memref<!tpu.dma_semaphore, #tpu.memory_space<semaphore_mem>>)
      %dma_wait3A_102 = tpu.memref_slice %arg3[%mul3A_2] : memref<160000xi32, #tpu.memory_space<hbm>> -> memref<5000xi32, #tpu.memory_space<hbm>>
      %dma_wait3A_103 = tpu.memref_slice %arg3[%mul3A_2] : memref<160000xi32, #tpu.memory_space<hbm>> -> memref<5000xi32, #tpu.memory_space<hbm>>
      tpu.wait_dma2 semaphore(%run_scoped3A : memref<!tpu.dma_semaphore, #tpu.memory_space<semaphore_mem>>) src(%dma_wait3A_103 : memref<5000xi32, #tpu.memory_space<hbm>>) dst(%arg6 : memref<5000xi32, #tpu.memory_space<vmem>>)
      tpu.yield
    }) : () -> ()
    "tpu.region"() ({
      %run_scoped3A = tpu.sem_alloc : memref<!tpu.dma_semaphore, #tpu.memory_space<semaphore_mem>>
      %dma_start3A_100 = tpu.memref_slice %arg4[%mul3A_2] : memref<160000xi32, #tpu.memory_space<hbm>> -> memref<5000xi32, #tpu.memory_space<hbm>>
      %dma_start3A_101 = tpu.memref_slice %arg4[%mul3A_2] : memref<160000xi32, #tpu.memory_space<hbm>> -> memref<5000xi32, #tpu.memory_space<hbm>>
      tpu.enqueue_dma source(%dma_start3A_101 : memref<5000xi32, #tpu.memory_space<hbm>>) target(%arg7 : memref<5000xi32, #tpu.memory_space<vmem>>) target_semaphore(%run_scoped3A : memref<!tpu.dma_semaphore, #tpu.memory_space<semaphore_mem>>)
      %dma_wait3A_102 = tpu.memref_slice %arg4[%mul3A_2] : memref<160000xi32, #tpu.memory_space<hbm>> -> memref<5000xi32, #tpu.memory_space<hbm>>
      %dma_wait3A_103 = tpu.memref_slice %arg4[%mul3A_2] : memref<160000xi32, #tpu.memory_space<hbm>> -> memref<5000xi32, #tpu.memory_space<hbm>>
      tpu.wait_dma2 semaphore(%run_scoped3A : memref<!tpu.dma_semaphore, #tpu.memory_space<semaphore_mem>>) src(%dma_wait3A_103 : memref<5000xi32, #tpu.memory_space<hbm>>) dst(%arg7 : memref<5000xi32, #tpu.memory_space<vmem>>)
      tpu.yield
    }) : () -> ()
    %dma_start3A = arith.constant 0 : i32
    %dma_start3A_3 = tpu.memref_slice %arg6[%dma_start3A] : memref<5000xi32, #tpu.memory_space<vmem>> -> memref<128xi32, #tpu.memory_space<vmem>>
    %dma_start3A_4 = arith.constant 0 : i32
    %dma_start3A_5 = arith.constant 0 : i32
    %dma_start3A_6 = tpu.memref_slice %arg2[%dma_start3A_4, %dma_start3A_5] : memref<10000x128xf32, #tpu.memory_space<hbm>> -> memref<10000x128xf32, #tpu.memory_space<hbm>>
    tpu.enqueue_indirect_dma source(%dma_start3A_6 : memref<10000x128xf32, #tpu.memory_space<hbm>>) target(%arg8 : memref<128x128xf32, #tpu.memory_space<vmem>>) offsets(%dma_start3A_3 : memref<128xi32, #tpu.memory_space<vmem>>) semaphore(%arg14 : memref<!tpu.dma_semaphore, #tpu.memory_space<semaphore_mem>>)
    %dma_start3A_7 = arith.constant 0 : i32
    %dma_start3A_8 = tpu.memref_slice %arg7[%dma_start3A_7] : memref<5000xi32, #tpu.memory_space<vmem>> -> memref<128xi32, #tpu.memory_space<vmem>>
    %dma_start3A_9 = arith.constant 0 : i32
    %dma_start3A_10 = arith.constant 0 : i32
    %dma_start3A_11 = tpu.memref_slice %arg2[%dma_start3A_9, %dma_start3A_10] : memref<10000x128xf32, #tpu.memory_space<hbm>> -> memref<10000x128xf32, #tpu.memory_space<hbm>>
    tpu.enqueue_indirect_dma source(%dma_start3A_11 : memref<10000x128xf32, #tpu.memory_space<hbm>>) target(%arg10 : memref<128x128xf32, #tpu.memory_space<vmem>>) offsets(%dma_start3A_8 : memref<128xi32, #tpu.memory_space<vmem>>) semaphore(%arg16 : memref<!tpu.dma_semaphore, #tpu.memory_space<semaphore_mem>>)
    %dma_start3A_12 = arith.constant 128 : i32
    %dma_start3A_13 = tpu.memref_slice %arg6[%dma_start3A_12] : memref<5000xi32, #tpu.memory_space<vmem>> -> memref<128xi32, #tpu.memory_space<vmem>>
    %dma_start3A_14 = arith.constant 0 : i32
    %dma_start3A_15 = arith.constant 0 : i32
    %dma_start3A_16 = tpu.memref_slice %arg2[%dma_start3A_14, %dma_start3A_15] : memref<10000x128xf32, #tpu.memory_space<hbm>> -> memref<10000x128xf32, #tpu.memory_space<hbm>>
    tpu.enqueue_indirect_dma source(%dma_start3A_16 : memref<10000x128xf32, #tpu.memory_space<hbm>>) target(%arg9 : memref<128x128xf32, #tpu.memory_space<vmem>>) offsets(%dma_start3A_13 : memref<128xi32, #tpu.memory_space<vmem>>) semaphore(%arg15 : memref<!tpu.dma_semaphore, #tpu.memory_space<semaphore_mem>>)
    %dma_start3A_17 = arith.constant 128 : i32
    %dma_start3A_18 = tpu.memref_slice %arg7[%dma_start3A_17] : memref<5000xi32, #tpu.memory_space<vmem>> -> memref<128xi32, #tpu.memory_space<vmem>>
    %dma_start3A_19 = arith.constant 0 : i32
    %dma_start3A_20 = arith.constant 0 : i32
    %dma_start3A_21 = tpu.memref_slice %arg2[%dma_start3A_19, %dma_start3A_20] : memref<10000x128xf32, #tpu.memory_space<hbm>> -> memref<10000x128xf32, #tpu.memory_space<hbm>>
    tpu.enqueue_indirect_dma source(%dma_start3A_21 : memref<10000x128xf32, #tpu.memory_space<hbm>>) target(%arg11 : memref<128x128xf32, #tpu.memory_space<vmem>>) offsets(%dma_start3A_18 : memref<128xi32, #tpu.memory_space<vmem>>) semaphore(%arg17 : memref<!tpu.dma_semaphore, #tpu.memory_space<semaphore_mem>>)
    %scan3A = arith.constant 0 : i32
    %scan3A_22 = arith.constant 0 : i32
    %scan3A_23 = arith.constant 19 : i32
    %scan3A_24 = arith.addi %scan3A_22, %scan3A_23 : i32
    %scan3A_25 = arith.constant 1 : i32
    scf.for %scan3A_100 = %scan3A_22 to %scan3A_24 step %scan3A_25  : i32 {
      %mul3A_101 = arith.constant 2 : i32
      %mul3A_102 = arith.muli %mul3A_101, %scan3A_100 : i32
      %add3A_103 = arith.constant 0 : i32
      %add3A_104 = arith.addi %mul3A_102, %add3A_103 : i32
      %dma_wait3A_105 = arith.constant 0 : i32
      %dma_wait3A_106 = tpu.memref_slice %arg6[%dma_wait3A_105] : memref<5000xi32, #tpu.memory_space<vmem>> -> memref<128xi32, #tpu.memory_space<vmem>>
      %dma_wait3A_107 = arith.constant 0 : i32
      %dma_wait3A_108 = arith.constant 0 : i32
      %dma_wait3A_109 = tpu.memref_slice %arg2[%dma_wait3A_107, %dma_wait3A_108] : memref<10000x128xf32, #tpu.memory_space<hbm>> -> memref<10000x128xf32, #tpu.memory_space<hbm>>
      tpu.wait_indirect_dma semaphore(%arg14 : memref<!tpu.dma_semaphore, #tpu.memory_space<semaphore_mem>>) src(%dma_wait3A_109 : memref<10000x128xf32, #tpu.memory_space<hbm>>) dst(%arg8 : memref<128x128xf32, #tpu.memory_space<vmem>>)
      %dma_wait3A_110 = arith.constant 0 : i32
      %dma_wait3A_111 = tpu.memref_slice %arg7[%dma_wait3A_110] : memref<5000xi32, #tpu.memory_space<vmem>> -> memref<128xi32, #tpu.memory_space<vmem>>
      %dma_wait3A_112 = arith.constant 0 : i32
      %dma_wait3A_113 = arith.constant 0 : i32
      %dma_wait3A_114 = tpu.memref_slice %arg2[%dma_wait3A_112, %dma_wait3A_113] : memref<10000x128xf32, #tpu.memory_space<hbm>> -> memref<10000x128xf32, #tpu.memory_space<hbm>>
      tpu.wait_indirect_dma semaphore(%arg16 : memref<!tpu.dma_semaphore, #tpu.memory_space<semaphore_mem>>) src(%dma_wait3A_114 : memref<10000x128xf32, #tpu.memory_space<hbm>>) dst(%arg10 : memref<128x128xf32, #tpu.memory_space<vmem>>)
      %ge3A = arith.constant 2 : i32
      %ge3A_115 = arith.cmpi sge, %add3A_104, %ge3A : i32
      %convert_element_type3A = arith.extui %ge3A_115 : i1 to i32
      %cond3A = arith.constant 0 : i32
      %cond3A_116 = arith.cmpi ne, %convert_element_type3A, %cond3A : i32
      scf.if %cond3A_116 {
        %dma_wait3A_175 = arith.constant 0 : i32
        %dma_wait3A_176 = tpu.memref_slice %arg5[%mul3A_2, %dma_wait3A_175] : memref<160000x64xf32, #tpu.memory_space<hbm>> -> memref<128x64xf32, #tpu.memory_space<hbm>>
        %dma_wait3A_177 = arith.constant 0 : i32
        %dma_wait3A_178 = tpu.memref_slice %arg5[%mul3A_2, %dma_wait3A_177] : memref<160000x64xf32, #tpu.memory_space<hbm>> -> memref<128x64xf32, #tpu.memory_space<hbm>>
        tpu.wait_dma2 semaphore(%arg18 : memref<!tpu.dma_semaphore, #tpu.memory_space<semaphore_mem>>) src(%arg12 : memref<128x64xf32, #tpu.memory_space<vmem>>) dst(%dma_wait3A_178 : memref<128x64xf32, #tpu.memory_space<hbm>>)
      } else {
      }
      %scan3A_117 = arith.constant 0 : i32
      %scan3A_118 = arith.constant 0 : i32
      %scan3A_119 = arith.constant 128 : i32
      %scan3A_120 = arith.addi %scan3A_118, %scan3A_119 : i32
      %scan3A_121 = arith.constant 1 : i32
      scf.for %scan3A_175 = %scan3A_118 to %scan3A_120 step %scan3A_121  : i32 {
        %get3A = arith.index_cast %scan3A_175 : i32 to index
        %get3A_176 = arith.constant 0 : index
        %get3A_177 = tpu.vector_load %arg8[%get3A, %get3A_176] {strides = array<i32>} : memref<128x128xf32, #tpu.memory_space<vmem>>, vector<1x16xf32>,
        %get3A_178 = vector.shape_cast %get3A_177 : vector<1x16xf32> to vector<16xf32>
        %get3A_179 = arith.index_cast %scan3A_175 : i32 to index
        %get3A_180 = arith.constant 64 : index
        %get3A_181 = tpu.vector_load %arg10[%get3A_179, %get3A_180] {strides = array<i32>} : memref<128x128xf32, #tpu.memory_space<vmem>>, vector<1x16xf32>,
        %get3A_182 = vector.shape_cast %get3A_181 : vector<1x16xf32> to vector<16xf32>
        %add3A_183 = arith.addf %get3A_178, %get3A_182 : vector<16xf32>
        %swap3A = arith.index_cast %scan3A_175 : i32 to index
        %swap3A_184 = arith.constant 0 : index
        %swap3A_185 = tpu.vector_load %arg12[%swap3A, %swap3A_184] {strides = array<i32>} : memref<128x64xf32, #tpu.memory_space<vmem>>, vector<1x16xf32>,
        %swap3A_186 = vector.shape_cast %swap3A_185 : vector<1x16xf32> to vector<16xf32>
        %swap3A_187 = vector.shape_cast %add3A_183 : vector<16xf32> to vector<1x16xf32>
        tpu.vector_store %arg12[%swap3A, %swap3A_184], %swap3A_187 {strides = array<i32>} : memref<128x64xf32, #tpu.memory_space<vmem>>, vector<1x16xf32>,
        %get3A_188 = arith.index_cast %scan3A_175 : i32 to index
        %get3A_189 = arith.constant 16 : index
        %get3A_190 = tpu.vector_load %arg8[%get3A_188, %get3A_189] {strides = array<i32>} : memref<128x128xf32, #tpu.memory_space<vmem>>, vector<1x16xf32>,
        %get3A_191 = vector.shape_cast %get3A_190 : vector<1x16xf32> to vector<16xf32>
        %get3A_192 = arith.index_cast %scan3A_175 : i32 to index
        %get3A_193 = arith.constant 80 : index
        %get3A_194 = tpu.vector_load %arg10[%get3A_192, %get3A_193] {strides = array<i32>} : memref<128x128xf32, #tpu.memory_space<vmem>>, vector<1x16xf32>,
        %get3A_195 = vector.shape_cast %get3A_194 : vector<1x16xf32> to vector<16xf32>
        %add3A_196 = arith.addf %get3A_191, %get3A_195 : vector<16xf32>
        %swap3A_197 = arith.index_cast %scan3A_175 : i32 to index
        %swap3A_198 = arith.constant 16 : index
        %swap3A_199 = tpu.vector_load %arg12[%swap3A_197, %swap3A_198] {strides = array<i32>} : memref<128x64xf32, #tpu.memory_space<vmem>>, vector<1x16xf32>,
        %swap3A_200 = vector.shape_cast %swap3A_199 : vector<1x16xf32> to vector<16xf32>
        %swap3A_201 = vector.shape_cast %add3A_196 : vector<16xf32> to vector<1x16xf32>
        tpu.vector_store %arg12[%swap3A_197, %swap3A_198], %swap3A_201 {strides = array<i32>} : memref<128x64xf32, #tpu.memory_space<vmem>>, vector<1x16xf32>,
        %get3A_202 = arith.index_cast %scan3A_175 : i32 to index
        %get3A_203 = arith.constant 32 : index
        %get3A_204 = tpu.vector_load %arg8[%get3A_202, %get3A_203] {strides = array<i32>} : memref<128x128xf32, #tpu.memory_space<vmem>>, vector<1x16xf32>,
        %get3A_205 = vector.shape_cast %get3A_204 : vector<1x16xf32> to vector<16xf32>
        %get3A_206 = arith.index_cast %scan3A_175 : i32 to index
        %get3A_207 = arith.constant 96 : index
        %get3A_208 = tpu.vector_load %arg10[%get3A_206, %get3A_207] {strides = array<i32>} : memref<128x128xf32, #tpu.memory_space<vmem>>, vector<1x16xf32>,
        %get3A_209 = vector.shape_cast %get3A_208 : vector<1x16xf32> to vector<16xf32>
        %add3A_210 = arith.addf %get3A_205, %get3A_209 : vector<16xf32>
        %swap3A_211 = arith.index_cast %scan3A_175 : i32 to index
        %swap3A_212 = arith.constant 32 : index
        %swap3A_213 = tpu.vector_load %arg12[%swap3A_211, %swap3A_212] {strides = array<i32>} : memref<128x64xf32, #tpu.memory_space<vmem>>, vector<1x16xf32>,
        %swap3A_214 = vector.shape_cast %swap3A_213 : vector<1x16xf32> to vector<16xf32>
        %swap3A_215 = vector.shape_cast %add3A_210 : vector<16xf32> to vector<1x16xf32>
        tpu.vector_store %arg12[%swap3A_211, %swap3A_212], %swap3A_215 {strides = array<i32>} : memref<128x64xf32, #tpu.memory_space<vmem>>, vector<1x16xf32>,
        %get3A_216 = arith.index_cast %scan3A_175 : i32 to index
        %get3A_217 = arith.constant 48 : index
        %get3A_218 = tpu.vector_load %arg8[%get3A_216, %get3A_217] {strides = array<i32>} : memref<128x128xf32, #tpu.memory_space<vmem>>, vector<1x16xf32>,
        %get3A_219 = vector.shape_cast %get3A_218 : vector<1x16xf32> to vector<16xf32>
        %get3A_220 = arith.index_cast %scan3A_175 : i32 to index
        %get3A_221 = arith.constant 112 : index
        %get3A_222 = tpu.vector_load %arg10[%get3A_220, %get3A_221] {strides = array<i32>} : memref<128x128xf32, #tpu.memory_space<vmem>>, vector<1x16xf32>,
        %get3A_223 = vector.shape_cast %get3A_222 : vector<1x16xf32> to vector<16xf32>
        %add3A_224 = arith.addf %get3A_219, %get3A_223 : vector<16xf32>
        %swap3A_225 = arith.index_cast %scan3A_175 : i32 to index
        %swap3A_226 = arith.constant 48 : index
        %swap3A_227 = tpu.vector_load %arg12[%swap3A_225, %swap3A_226] {strides = array<i32>} : memref<128x64xf32, #tpu.memory_space<vmem>>, vector<1x16xf32>,
        %swap3A_228 = vector.shape_cast %swap3A_227 : vector<1x16xf32> to vector<16xf32>
        %swap3A_229 = vector.shape_cast %add3A_224 : vector<16xf32> to vector<1x16xf32>
        tpu.vector_store %arg12[%swap3A_225, %swap3A_226], %swap3A_229 {strides = array<i32>} : memref<128x64xf32, #tpu.memory_space<vmem>>, vector<1x16xf32>,
      }
      %scan3A_122 = arith.constant 128 : i32
      %mul3A_123 = arith.constant 128 : i32
      %mul3A_124 = arith.muli %add3A_104, %mul3A_123 : i32
      %add3A_125 = arith.addi %mul3A_2, %mul3A_124 : i32
      %dma_start3A_126 = arith.constant 0 : i32
      %dma_start3A_127 = tpu.memref_slice %arg5[%add3A_125, %dma_start3A_126] : memref<160000x64xf32, #tpu.memory_space<hbm>> -> memref<128x64xf32, #tpu.memory_space<hbm>>
      %dma_start3A_128 = arith.constant 0 : i32
      %dma_start3A_129 = tpu.memref_slice %arg5[%add3A_125, %dma_start3A_128] : memref<160000x64xf32, #tpu.memory_space<hbm>> -> memref<128x64xf32, #tpu.memory_space<hbm>>
      tpu.enqueue_dma source(%arg12 : memref<128x64xf32, #tpu.memory_space<vmem>>) target(%dma_start3A_129 : memref<128x64xf32, #tpu.memory_space<hbm>>) target_semaphore(%arg18 : memref<!tpu.dma_semaphore, #tpu.memory_space<semaphore_mem>>)
      %add3A_130 = arith.constant 2 : i32
      %add3A_131 = arith.addi %add3A_104, %add3A_130 : i32
      %lt3A = arith.constant 39 : i32
      %lt3A_132 = arith.cmpi slt, %add3A_131, %lt3A : i32
      %convert_element_type3A_133 = arith.extui %lt3A_132 : i1 to i32
      %cond3A_134 = arith.constant 0 : i32
      %cond3A_135 = arith.cmpi ne, %convert_element_type3A_133, %cond3A_134 : i32
      scf.if %cond3A_135 {
        %add3A_175 = arith.constant 2 : i32
        %add3A_176 = arith.addi %add3A_104, %add3A_175 : i32
        %mul3A_177 = arith.constant 128 : i32
        %mul3A_178 = arith.muli %add3A_176, %mul3A_177 : i32
        %dma_start3A_179 = tpu.memref_slice %arg6[%mul3A_178] : memref<5000xi32, #tpu.memory_space<vmem>> -> memref<128xi32, #tpu.memory_space<vmem>>
        %dma_start3A_180 = arith.constant 0 : i32
        %dma_start3A_181 = arith.constant 0 : i32
        %dma_start3A_182 = tpu.memref_slice %arg2[%dma_start3A_180, %dma_start3A_181] : memref<10000x128xf32, #tpu.memory_space<hbm>> -> memref<10000x128xf32, #tpu.memory_space<hbm>>
        tpu.enqueue_indirect_dma source(%dma_start3A_182 : memref<10000x128xf32, #tpu.memory_space<hbm>>) target(%arg8 : memref<128x128xf32, #tpu.memory_space<vmem>>) offsets(%dma_start3A_179 : memref<128xi32, #tpu.memory_space<vmem>>) semaphore(%arg14 : memref<!tpu.dma_semaphore, #tpu.memory_space<semaphore_mem>>)
        %dma_start3A_183 = tpu.memref_slice %arg7[%mul3A_178] : memref<5000xi32, #tpu.memory_space<vmem>> -> memref<128xi32, #tpu.memory_space<vmem>>
        %dma_start3A_184 = arith.constant 0 : i32
        %dma_start3A_185 = arith.constant 0 : i32
        %dma_start3A_186 = tpu.memref_slice %arg2[%dma_start3A_184, %dma_start3A_185] : memref<10000x128xf32, #tpu.memory_space<hbm>> -> memref<10000x128xf32, #tpu.memory_space<hbm>>
        tpu.enqueue_indirect_dma source(%dma_start3A_186 : memref<10000x128xf32, #tpu.memory_space<hbm>>) target(%arg10 : memref<128x128xf32, #tpu.memory_space<vmem>>) offsets(%dma_start3A_183 : memref<128xi32, #tpu.memory_space<vmem>>) semaphore(%arg16 : memref<!tpu.dma_semaphore, #tpu.memory_space<semaphore_mem>>)
      } else {
      }
      %mul3A_136 = arith.constant 2 : i32
      %mul3A_137 = arith.muli %mul3A_136, %scan3A_100 : i32
      %add3A_138 = arith.constant 1 : i32
      %add3A_139 = arith.addi %mul3A_137, %add3A_138 : i32
      %dma_wait3A_140 = arith.constant 0 : i32
      %dma_wait3A_141 = tpu.memref_slice %arg6[%dma_wait3A_140] : memref<5000xi32, #tpu.memory_space<vmem>> -> memref<128xi32, #tpu.memory_space<vmem>>
      %dma_wait3A_142 = arith.constant 0 : i32
      %dma_wait3A_143 = arith.constant 0 : i32
      %dma_wait3A_144 = tpu.memref_slice %arg2[%dma_wait3A_142, %dma_wait3A_143] : memref<10000x128xf32, #tpu.memory_space<hbm>> -> memref<10000x128xf32, #tpu.memory_space<hbm>>
      tpu.wait_indirect_dma semaphore(%arg15 : memref<!tpu.dma_semaphore, #tpu.memory_space<semaphore_mem>>) src(%dma_wait3A_144 : memref<10000x128xf32, #tpu.memory_space<hbm>>) dst(%arg9 : memref<128x128xf32, #tpu.memory_space<vmem>>)
      %dma_wait3A_145 = arith.constant 0 : i32
      %dma_wait3A_146 = tpu.memref_slice %arg7[%dma_wait3A_145] : memref<5000xi32, #tpu.memory_space<vmem>> -> memref<128xi32, #tpu.memory_space<vmem>>
      %dma_wait3A_147 = arith.constant 0 : i32
      %dma_wait3A_148 = arith.constant 0 : i32
      %dma_wait3A_149 = tpu.memref_slice %arg2[%dma_wait3A_147, %dma_wait3A_148] : memref<10000x128xf32, #tpu.memory_space<hbm>> -> memref<10000x128xf32, #tpu.memory_space<hbm>>
      tpu.wait_indirect_dma semaphore(%arg17 : memref<!tpu.dma_semaphore, #tpu.memory_space<semaphore_mem>>) src(%dma_wait3A_149 : memref<10000x128xf32, #tpu.memory_space<hbm>>) dst(%arg11 : memref<128x128xf32, #tpu.memory_space<vmem>>)
      %ge3A_150 = arith.constant 2 : i32
      %ge3A_151 = arith.cmpi sge, %add3A_139, %ge3A_150 : i32
      %convert_element_type3A_152 = arith.extui %ge3A_151 : i1 to i32
      %cond3A_153 = arith.constant 0 : i32
      %cond3A_154 = arith.cmpi ne, %convert_element_type3A_152, %cond3A_153 : i32
      scf.if %cond3A_154 {
        %dma_wait3A_175 = arith.constant 0 : i32
        %dma_wait3A_176 = tpu.memref_slice %arg5[%mul3A_2, %dma_wait3A_175] : memref<160000x64xf32, #tpu.memory_space<hbm>> -> memref<128x64xf32, #tpu.memory_space<hbm>>
        %dma_wait3A_177 = arith.constant 0 : i32
        %dma_wait3A_178 = tpu.memref_slice %arg5[%mul3A_2, %dma_wait3A_177] : memref<160000x64xf32, #tpu.memory_space<hbm>> -> memref<128x64xf32, #tpu.memory_space<hbm>>
        tpu.wait_dma2 semaphore(%arg19 : memref<!tpu.dma_semaphore, #tpu.memory_space<semaphore_mem>>) src(%arg13 : memref<128x64xf32, #tpu.memory_space<vmem>>) dst(%dma_wait3A_178 : memref<128x64xf32, #tpu.memory_space<hbm>>)
      } else {
      }
      %scan3A_155 = arith.constant 0 : i32
      %scan3A_156 = arith.constant 0 : i32
      %scan3A_157 = arith.constant 128 : i32
      %scan3A_158 = arith.addi %scan3A_156, %scan3A_157 : i32
      %scan3A_159 = arith.constant 1 : i32
      scf.for %scan3A_175 = %scan3A_156 to %scan3A_158 step %scan3A_159  : i32 {
        %get3A = arith.index_cast %scan3A_175 : i32 to index
        %get3A_176 = arith.constant 0 : index
        %get3A_177 = tpu.vector_load %arg9[%get3A, %get3A_176] {strides = array<i32>} : memref<128x128xf32, #tpu.memory_space<vmem>>, vector<1x16xf32>,
        %get3A_178 = vector.shape_cast %get3A_177 : vector<1x16xf32> to vector<16xf32>
        %get3A_179 = arith.index_cast %scan3A_175 : i32 to index
        %get3A_180 = arith.constant 64 : index
        %get3A_181 = tpu.vector_load %arg11[%get3A_179, %get3A_180] {strides = array<i32>} : memref<128x128xf32, #tpu.memory_space<vmem>>, vector<1x16xf32>,
        %get3A_182 = vector.shape_cast %get3A_181 : vector<1x16xf32> to vector<16xf32>
        %add3A_183 = arith.addf %get3A_178, %get3A_182 : vector<16xf32>
        %swap3A = arith.index_cast %scan3A_175 : i32 to index
        %swap3A_184 = arith.constant 0 : index
        %swap3A_185 = tpu.vector_load %arg13[%swap3A, %swap3A_184] {strides = array<i32>} : memref<128x64xf32, #tpu.memory_space<vmem>>, vector<1x16xf32>,
        %swap3A_186 = vector.shape_cast %swap3A_185 : vector<1x16xf32> to vector<16xf32>
        %swap3A_187 = vector.shape_cast %add3A_183 : vector<16xf32> to vector<1x16xf32>
        tpu.vector_store %arg13[%swap3A, %swap3A_184], %swap3A_187 {strides = array<i32>} : memref<128x64xf32, #tpu.memory_space<vmem>>, vector<1x16xf32>,
        %get3A_188 = arith.index_cast %scan3A_175 : i32 to index
        %get3A_189 = arith.constant 16 : index
        %get3A_190 = tpu.vector_load %arg9[%get3A_188, %get3A_189] {strides = array<i32>} : memref<128x128xf32, #tpu.memory_space<vmem>>, vector<1x16xf32>,
        %get3A_191 = vector.shape_cast %get3A_190 : vector<1x16xf32> to vector<16xf32>
        %get3A_192 = arith.index_cast %scan3A_175 : i32 to index
        %get3A_193 = arith.constant 80 : index
        %get3A_194 = tpu.vector_load %arg11[%get3A_192, %get3A_193] {strides = array<i32>} : memref<128x128xf32, #tpu.memory_space<vmem>>, vector<1x16xf32>,
        %get3A_195 = vector.shape_cast %get3A_194 : vector<1x16xf32> to vector<16xf32>
        %add3A_196 = arith.addf %get3A_191, %get3A_195 : vector<16xf32>
        %swap3A_197 = arith.index_cast %scan3A_175 : i32 to index
        %swap3A_198 = arith.constant 16 : index
        %swap3A_199 = tpu.vector_load %arg13[%swap3A_197, %swap3A_198] {strides = array<i32>} : memref<128x64xf32, #tpu.memory_space<vmem>>, vector<1x16xf32>,
        %swap3A_200 = vector.shape_cast %swap3A_199 : vector<1x16xf32> to vector<16xf32>
        %swap3A_201 = vector.shape_cast %add3A_196 : vector<16xf32> to vector<1x16xf32>
        tpu.vector_store %arg13[%swap3A_197, %swap3A_198], %swap3A_201 {strides = array<i32>} : memref<128x64xf32, #tpu.memory_space<vmem>>, vector<1x16xf32>,
        %get3A_202 = arith.index_cast %scan3A_175 : i32 to index
        %get3A_203 = arith.constant 32 : index
        %get3A_204 = tpu.vector_load %arg9[%get3A_202, %get3A_203] {strides = array<i32>} : memref<128x128xf32, #tpu.memory_space<vmem>>, vector<1x16xf32>,
        %get3A_205 = vector.shape_cast %get3A_204 : vector<1x16xf32> to vector<16xf32>
        %get3A_206 = arith.index_cast %scan3A_175 : i32 to index
        %get3A_207 = arith.constant 96 : index
        %get3A_208 = tpu.vector_load %arg11[%get3A_206, %get3A_207] {strides = array<i32>} : memref<128x128xf32, #tpu.memory_space<vmem>>, vector<1x16xf32>,
        %get3A_209 = vector.shape_cast %get3A_208 : vector<1x16xf32> to vector<16xf32>
        %add3A_210 = arith.addf %get3A_205, %get3A_209 : vector<16xf32>
        %swap3A_211 = arith.index_cast %scan3A_175 : i32 to index
        %swap3A_212 = arith.constant 32 : index
        %swap3A_213 = tpu.vector_load %arg13[%swap3A_211, %swap3A_212] {strides = array<i32>} : memref<128x64xf32, #tpu.memory_space<vmem>>, vector<1x16xf32>,
        %swap3A_214 = vector.shape_cast %swap3A_213 : vector<1x16xf32> to vector<16xf32>
        %swap3A_215 = vector.shape_cast %add3A_210 : vector<16xf32> to vector<1x16xf32>
        tpu.vector_store %arg13[%swap3A_211, %swap3A_212], %swap3A_215 {strides = array<i32>} : memref<128x64xf32, #tpu.memory_space<vmem>>, vector<1x16xf32>,
        %get3A_216 = arith.index_cast %scan3A_175 : i32 to index
        %get3A_217 = arith.constant 48 : index
        %get3A_218 = tpu.vector_load %arg9[%get3A_216, %get3A_217] {strides = array<i32>} : memref<128x128xf32, #tpu.memory_space<vmem>>, vector<1x16xf32>,
        %get3A_219 = vector.shape_cast %get3A_218 : vector<1x16xf32> to vector<16xf32>
        %get3A_220 = arith.index_cast %scan3A_175 : i32 to index
        %get3A_221 = arith.constant 112 : index
        %get3A_222 = tpu.vector_load %arg11[%get3A_220, %get3A_221] {strides = array<i32>} : memref<128x128xf32, #tpu.memory_space<vmem>>, vector<1x16xf32>,
        %get3A_223 = vector.shape_cast %get3A_222 : vector<1x16xf32> to vector<16xf32>
        %add3A_224 = arith.addf %get3A_219, %get3A_223 : vector<16xf32>
        %swap3A_225 = arith.index_cast %scan3A_175 : i32 to index
        %swap3A_226 = arith.constant 48 : index
        %swap3A_227 = tpu.vector_load %arg13[%swap3A_225, %swap3A_226] {strides = array<i32>} : memref<128x64xf32, #tpu.memory_space<vmem>>, vector<1x16xf32>,
        %swap3A_228 = vector.shape_cast %swap3A_227 : vector<1x16xf32> to vector<16xf32>
        %swap3A_229 = vector.shape_cast %add3A_224 : vector<16xf32> to vector<1x16xf32>
        tpu.vector_store %arg13[%swap3A_225, %swap3A_226], %swap3A_229 {strides = array<i32>} : memref<128x64xf32, #tpu.memory_space<vmem>>, vector<1x16xf32>,
      }
      %scan3A_160 = arith.constant 128 : i32
      %mul3A_161 = arith.constant 128 : i32
      %mul3A_162 = arith.muli %add3A_139, %mul3A_161 : i32
      %add3A_163 = arith.addi %mul3A_2, %mul3A_162 : i32
      %dma_start3A_164 = arith.constant 0 : i32
      %dma_start3A_165 = tpu.memref_slice %arg5[%add3A_163, %dma_start3A_164] : memref<160000x64xf32, #tpu.memory_space<hbm>> -> memref<128x64xf32, #tpu.memory_space<hbm>>
      %dma_start3A_166 = arith.constant 0 : i32
      %dma_start3A_167 = tpu.memref_slice %arg5[%add3A_163, %dma_start3A_166] : memref<160000x64xf32, #tpu.memory_space<hbm>> -> memref<128x64xf32, #tpu.memory_space<hbm>>
      tpu.enqueue_dma source(%arg13 : memref<128x64xf32, #tpu.memory_space<vmem>>) target(%dma_start3A_167 : memref<128x64xf32, #tpu.memory_space<hbm>>) target_semaphore(%arg19 : memref<!tpu.dma_semaphore, #tpu.memory_space<semaphore_mem>>)
      %add3A_168 = arith.constant 2 : i32
      %add3A_169 = arith.addi %add3A_139, %add3A_168 : i32
      %lt3A_170 = arith.constant 39 : i32
      %lt3A_171 = arith.cmpi slt, %add3A_169, %lt3A_170 : i32
      %convert_element_type3A_172 = arith.extui %lt3A_171 : i1 to i32
      %cond3A_173 = arith.constant 0 : i32
      %cond3A_174 = arith.cmpi ne, %convert_element_type3A_172, %cond3A_173 : i32
      scf.if %cond3A_174 {
        %add3A_175 = arith.constant 2 : i32
        %add3A_176 = arith.addi %add3A_139, %add3A_175 : i32
        %mul3A_177 = arith.constant 128 : i32
        %mul3A_178 = arith.muli %add3A_176, %mul3A_177 : i32
        %dma_start3A_179 = tpu.memref_slice %arg6[%mul3A_178] : memref<5000xi32, #tpu.memory_space<vmem>> -> memref<128xi32, #tpu.memory_space<vmem>>
        %dma_start3A_180 = arith.constant 0 : i32
        %dma_start3A_181 = arith.constant 0 : i32
        %dma_start3A_182 = tpu.memref_slice %arg2[%dma_start3A_180, %dma_start3A_181] : memref<10000x128xf32, #tpu.memory_space<hbm>> -> memref<10000x128xf32, #tpu.memory_space<hbm>>
        tpu.enqueue_indirect_dma source(%dma_start3A_182 : memref<10000x128xf32, #tpu.memory_space<hbm>>) target(%arg9 : memref<128x128xf32, #tpu.memory_space<vmem>>) offsets(%dma_start3A_179 : memref<128xi32, #tpu.memory_space<vmem>>) semaphore(%arg15 : memref<!tpu.dma_semaphore, #tpu.memory_space<semaphore_mem>>)
        %dma_start3A_183 = tpu.memref_slice %arg7[%mul3A_178] : memref<5000xi32, #tpu.memory_space<vmem>> -> memref<128xi32, #tpu.memory_space<vmem>>
        %dma_start3A_184 = arith.constant 0 : i32
        %dma_start3A_185 = arith.constant 0 : i32
        %dma_start3A_186 = tpu.memref_slice %arg2[%dma_start3A_184, %dma_start3A_185] : memref<10000x128xf32, #tpu.memory_space<hbm>> -> memref<10000x128xf32, #tpu.memory_space<hbm>>
        tpu.enqueue_indirect_dma source(%dma_start3A_186 : memref<10000x128xf32, #tpu.memory_space<hbm>>) target(%arg11 : memref<128x128xf32, #tpu.memory_space<vmem>>) offsets(%dma_start3A_183 : memref<128xi32, #tpu.memory_space<vmem>>) semaphore(%arg17 : memref<!tpu.dma_semaphore, #tpu.memory_space<semaphore_mem>>)
      } else {
      }
    }
    %scan3A_26 = arith.constant 19 : i32
    %dma_wait3A = arith.constant 0 : i32
    %dma_wait3A_27 = tpu.memref_slice %arg6[%dma_wait3A] : memref<5000xi32, #tpu.memory_space<vmem>> -> memref<128xi32, #tpu.memory_space<vmem>>
    %dma_wait3A_28 = arith.constant 0 : i32
    %dma_wait3A_29 = arith.constant 0 : i32
    %dma_wait3A_30 = tpu.memref_slice %arg2[%dma_wait3A_28, %dma_wait3A_29] : memref<10000x128xf32, #tpu.memory_space<hbm>> -> memref<10000x128xf32, #tpu.memory_space<hbm>>
    tpu.wait_indirect_dma semaphore(%arg14 : memref<!tpu.dma_semaphore, #tpu.memory_space<semaphore_mem>>) src(%dma_wait3A_30 : memref<10000x128xf32, #tpu.memory_space<hbm>>) dst(%arg8 : memref<128x128xf32, #tpu.memory_space<vmem>>)
    %dma_wait3A_31 = arith.constant 0 : i32
    %dma_wait3A_32 = tpu.memref_slice %arg7[%dma_wait3A_31] : memref<5000xi32, #tpu.memory_space<vmem>> -> memref<128xi32, #tpu.memory_space<vmem>>
    %dma_wait3A_33 = arith.constant 0 : i32
    %dma_wait3A_34 = arith.constant 0 : i32
    %dma_wait3A_35 = tpu.memref_slice %arg2[%dma_wait3A_33, %dma_wait3A_34] : memref<10000x128xf32, #tpu.memory_space<hbm>> -> memref<10000x128xf32, #tpu.memory_space<hbm>>
    tpu.wait_indirect_dma semaphore(%arg16 : memref<!tpu.dma_semaphore, #tpu.memory_space<semaphore_mem>>) src(%dma_wait3A_35 : memref<10000x128xf32, #tpu.memory_space<hbm>>) dst(%arg10 : memref<128x128xf32, #tpu.memory_space<vmem>>)
    %dma_wait3A_36 = arith.constant 0 : i32
    %dma_wait3A_37 = tpu.memref_slice %arg5[%mul3A_2, %dma_wait3A_36] : memref<160000x64xf32, #tpu.memory_space<hbm>> -> memref<128x64xf32, #tpu.memory_space<hbm>>
    %dma_wait3A_38 = arith.constant 0 : i32
    %dma_wait3A_39 = tpu.memref_slice %arg5[%mul3A_2, %dma_wait3A_38] : memref<160000x64xf32, #tpu.memory_space<hbm>> -> memref<128x64xf32, #tpu.memory_space<hbm>>
    tpu.wait_dma2 semaphore(%arg18 : memref<!tpu.dma_semaphore, #tpu.memory_space<semaphore_mem>>) src(%arg12 : memref<128x64xf32, #tpu.memory_space<vmem>>) dst(%dma_wait3A_39 : memref<128x64xf32, #tpu.memory_space<hbm>>)
    %scan3A_40 = arith.constant 0 : i32
    %scan3A_41 = arith.constant 0 : i32
    %scan3A_42 = arith.constant 128 : i32
    %scan3A_43 = arith.addi %scan3A_41, %scan3A_42 : i32
    %scan3A_44 = arith.constant 1 : i32
    scf.for %scan3A_100 = %scan3A_41 to %scan3A_43 step %scan3A_44  : i32 {
      %get3A = arith.index_cast %scan3A_100 : i32 to index
      %get3A_101 = arith.constant 0 : index
      %get3A_102 = tpu.vector_load %arg8[%get3A, %get3A_101] {strides = array<i32>} : memref<128x128xf32, #tpu.memory_space<vmem>>, vector<1x16xf32>,
      %get3A_103 = vector.shape_cast %get3A_102 : vector<1x16xf32> to vector<16xf32>
      %get3A_104 = arith.index_cast %scan3A_100 : i32 to index
      %get3A_105 = arith.constant 64 : index
      %get3A_106 = tpu.vector_load %arg10[%get3A_104, %get3A_105] {strides = array<i32>} : memref<128x128xf32, #tpu.memory_space<vmem>>, vector<1x16xf32>,
      %get3A_107 = vector.shape_cast %get3A_106 : vector<1x16xf32> to vector<16xf32>
      %add3A_108 = arith.addf %get3A_103, %get3A_107 : vector<16xf32>
      %swap3A = arith.index_cast %scan3A_100 : i32 to index
      %swap3A_109 = arith.constant 0 : index
      %swap3A_110 = tpu.vector_load %arg12[%swap3A, %swap3A_109] {strides = array<i32>} : memref<128x64xf32, #tpu.memory_space<vmem>>, vector<1x16xf32>,
      %swap3A_111 = vector.shape_cast %swap3A_110 : vector<1x16xf32> to vector<16xf32>
      %swap3A_112 = vector.shape_cast %add3A_108 : vector<16xf32> to vector<1x16xf32>
      tpu.vector_store %arg12[%swap3A, %swap3A_109], %swap3A_112 {strides = array<i32>} : memref<128x64xf32, #tpu.memory_space<vmem>>, vector<1x16xf32>,
      %get3A_113 = arith.index_cast %scan3A_100 : i32 to index
      %get3A_114 = arith.constant 16 : index
      %get3A_115 = tpu.vector_load %arg8[%get3A_113, %get3A_114] {strides = array<i32>} : memref<128x128xf32, #tpu.memory_space<vmem>>, vector<1x16xf32>,
      %get3A_116 = vector.shape_cast %get3A_115 : vector<1x16xf32> to vector<16xf32>
      %get3A_117 = arith.index_cast %scan3A_100 : i32 to index
      %get3A_118 = arith.constant 80 : index
      %get3A_119 = tpu.vector_load %arg10[%get3A_117, %get3A_118] {strides = array<i32>} : memref<128x128xf32, #tpu.memory_space<vmem>>, vector<1x16xf32>,
      %get3A_120 = vector.shape_cast %get3A_119 : vector<1x16xf32> to vector<16xf32>
      %add3A_121 = arith.addf %get3A_116, %get3A_120 : vector<16xf32>
      %swap3A_122 = arith.index_cast %scan3A_100 : i32 to index
      %swap3A_123 = arith.constant 16 : index
      %swap3A_124 = tpu.vector_load %arg12[%swap3A_122, %swap3A_123] {strides = array<i32>} : memref<128x64xf32, #tpu.memory_space<vmem>>, vector<1x16xf32>,
      %swap3A_125 = vector.shape_cast %swap3A_124 : vector<1x16xf32> to vector<16xf32>
      %swap3A_126 = vector.shape_cast %add3A_121 : vector<16xf32> to vector<1x16xf32>
      tpu.vector_store %arg12[%swap3A_122, %swap3A_123], %swap3A_126 {strides = array<i32>} : memref<128x64xf32, #tpu.memory_space<vmem>>, vector<1x16xf32>,
      %get3A_127 = arith.index_cast %scan3A_100 : i32 to index
      %get3A_128 = arith.constant 32 : index
      %get3A_129 = tpu.vector_load %arg8[%get3A_127, %get3A_128] {strides = array<i32>} : memref<128x128xf32, #tpu.memory_space<vmem>>, vector<1x16xf32>,
      %get3A_130 = vector.shape_cast %get3A_129 : vector<1x16xf32> to vector<16xf32>
      %get3A_131 = arith.index_cast %scan3A_100 : i32 to index
      %get3A_132 = arith.constant 96 : index
      %get3A_133 = tpu.vector_load %arg10[%get3A_131, %get3A_132] {strides = array<i32>} : memref<128x128xf32, #tpu.memory_space<vmem>>, vector<1x16xf32>,
      %get3A_134 = vector.shape_cast %get3A_133 : vector<1x16xf32> to vector<16xf32>
      %add3A_135 = arith.addf %get3A_130, %get3A_134 : vector<16xf32>
      %swap3A_136 = arith.index_cast %scan3A_100 : i32 to index
      %swap3A_137 = arith.constant 32 : index
      %swap3A_138 = tpu.vector_load %arg12[%swap3A_136, %swap3A_137] {strides = array<i32>} : memref<128x64xf32, #tpu.memory_space<vmem>>, vector<1x16xf32>,
      %swap3A_139 = vector.shape_cast %swap3A_138 : vector<1x16xf32> to vector<16xf32>
      %swap3A_140 = vector.shape_cast %add3A_135 : vector<16xf32> to vector<1x16xf32>
      tpu.vector_store %arg12[%swap3A_136, %swap3A_137], %swap3A_140 {strides = array<i32>} : memref<128x64xf32, #tpu.memory_space<vmem>>, vector<1x16xf32>,
      %get3A_141 = arith.index_cast %scan3A_100 : i32 to index
      %get3A_142 = arith.constant 48 : index
      %get3A_143 = tpu.vector_load %arg8[%get3A_141, %get3A_142] {strides = array<i32>} : memref<128x128xf32, #tpu.memory_space<vmem>>, vector<1x16xf32>,
      %get3A_144 = vector.shape_cast %get3A_143 : vector<1x16xf32> to vector<16xf32>
      %get3A_145 = arith.index_cast %scan3A_100 : i32 to index
      %get3A_146 = arith.constant 112 : index
      %get3A_147 = tpu.vector_load %arg10[%get3A_145, %get3A_146] {strides = array<i32>} : memref<128x128xf32, #tpu.memory_space<vmem>>, vector<1x16xf32>,
      %get3A_148 = vector.shape_cast %get3A_147 : vector<1x16xf32> to vector<16xf32>
      %add3A_149 = arith.addf %get3A_144, %get3A_148 : vector<16xf32>
      %swap3A_150 = arith.index_cast %scan3A_100 : i32 to index
      %swap3A_151 = arith.constant 48 : index
      %swap3A_152 = tpu.vector_load %arg12[%swap3A_150, %swap3A_151] {strides = array<i32>} : memref<128x64xf32, #tpu.memory_space<vmem>>, vector<1x16xf32>,
      %swap3A_153 = vector.shape_cast %swap3A_152 : vector<1x16xf32> to vector<16xf32>
      %swap3A_154 = vector.shape_cast %add3A_149 : vector<16xf32> to vector<1x16xf32>
      tpu.vector_store %arg12[%swap3A_150, %swap3A_151], %swap3A_154 {strides = array<i32>} : memref<128x64xf32, #tpu.memory_space<vmem>>, vector<1x16xf32>,
    }
    %scan3A_45 = arith.constant 128 : i32
    %add3A_46 = arith.constant 4864 : i32
    %add3A_47 = arith.addi %mul3A_2, %add3A_46 : i32
    %dma_start3A_48 = arith.constant 0 : i32
    %dma_start3A_49 = tpu.memref_slice %arg5[%add3A_47, %dma_start3A_48] : memref<160000x64xf32, #tpu.memory_space<hbm>> -> memref<128x64xf32, #tpu.memory_space<hbm>>
    %dma_start3A_50 = arith.constant 0 : i32
    %dma_start3A_51 = tpu.memref_slice %arg5[%add3A_47, %dma_start3A_50] : memref<160000x64xf32, #tpu.memory_space<hbm>> -> memref<128x64xf32, #tpu.memory_space<hbm>>
    tpu.enqueue_dma source(%arg12 : memref<128x64xf32, #tpu.memory_space<vmem>>) target(%dma_start3A_51 : memref<128x64xf32, #tpu.memory_space<hbm>>) target_semaphore(%arg18 : memref<!tpu.dma_semaphore, #tpu.memory_space<semaphore_mem>>)
    %dma_wait3A_52 = arith.constant 0 : i32
    %dma_wait3A_53 = tpu.memref_slice %arg5[%mul3A_2, %dma_wait3A_52] : memref<160000x64xf32, #tpu.memory_space<hbm>> -> memref<128x64xf32, #tpu.memory_space<hbm>>
    %dma_wait3A_54 = arith.constant 0 : i32
    %dma_wait3A_55 = tpu.memref_slice %arg5[%mul3A_2, %dma_wait3A_54] : memref<160000x64xf32, #tpu.memory_space<hbm>> -> memref<128x64xf32, #tpu.memory_space<hbm>>
    tpu.wait_dma2 semaphore(%arg19 : memref<!tpu.dma_semaphore, #tpu.memory_space<semaphore_mem>>) src(%arg13 : memref<128x64xf32, #tpu.memory_space<vmem>>) dst(%dma_wait3A_55 : memref<128x64xf32, #tpu.memory_space<hbm>>)
    %dma_start3A_56 = arith.constant 0 : i32
    %dma_start3A_57 = arith.constant 0 : i32
    %dma_start3A_58 = tpu.memref_slice %arg9[%dma_start3A_56, %dma_start3A_57] : memref<128x128xf32, #tpu.memory_space<vmem>> -> memref<8x128xf32, #tpu.memory_space<vmem>>
    %dma_start3A_59 = arith.constant 4992 : i32
    %dma_start3A_60 = tpu.memref_slice %arg6[%dma_start3A_59] : memref<5000xi32, #tpu.memory_space<vmem>> -> memref<8xi32, #tpu.memory_space<vmem>>
    %dma_start3A_61 = arith.constant 0 : i32
    %dma_start3A_62 = arith.constant 0 : i32
    %dma_start3A_63 = tpu.memref_slice %arg2[%dma_start3A_61, %dma_start3A_62] : memref<10000x128xf32, #tpu.memory_space<hbm>> -> memref<10000x128xf32, #tpu.memory_space<hbm>>
    tpu.enqueue_indirect_dma source(%dma_start3A_63 : memref<10000x128xf32, #tpu.memory_space<hbm>>) target(%dma_start3A_58 : memref<8x128xf32, #tpu.memory_space<vmem>>) offsets(%dma_start3A_60 : memref<8xi32, #tpu.memory_space<vmem>>) semaphore(%arg15 : memref<!tpu.dma_semaphore, #tpu.memory_space<semaphore_mem>>)
    %dma_start3A_64 = arith.constant 0 : i32
    %dma_start3A_65 = arith.constant 0 : i32
    %dma_start3A_66 = tpu.memref_slice %arg11[%dma_start3A_64, %dma_start3A_65] : memref<128x128xf32, #tpu.memory_space<vmem>> -> memref<8x128xf32, #tpu.memory_space<vmem>>
    %dma_start3A_67 = arith.constant 4992 : i32
    %dma_start3A_68 = tpu.memref_slice %arg7[%dma_start3A_67] : memref<5000xi32, #tpu.memory_space<vmem>> -> memref<8xi32, #tpu.memory_space<vmem>>
    %dma_start3A_69 = arith.constant 0 : i32
    %dma_start3A_70 = arith.constant 0 : i32
    %dma_start3A_71 = tpu.memref_slice %arg2[%dma_start3A_69, %dma_start3A_70] : memref<10000x128xf32, #tpu.memory_space<hbm>> -> memref<10000x128xf32, #tpu.memory_space<hbm>>
    tpu.enqueue_indirect_dma source(%dma_start3A_71 : memref<10000x128xf32, #tpu.memory_space<hbm>>) target(%dma_start3A_66 : memref<8x128xf32, #tpu.memory_space<vmem>>) offsets(%dma_start3A_68 : memref<8xi32, #tpu.memory_space<vmem>>) semaphore(%arg17 : memref<!tpu.dma_semaphore, #tpu.memory_space<semaphore_mem>>)
    %dma_wait3A_72 = arith.constant 0 : i32
    %dma_wait3A_73 = arith.constant 0 : i32
    %dma_wait3A_74 = tpu.memref_slice %arg9[%dma_wait3A_72, %dma_wait3A_73] : memref<128x128xf32, #tpu.memory_space<vmem>> -> memref<8x128xf32, #tpu.memory_space<vmem>>
    %dma_wait3A_75 = arith.constant 4992 : i32
    %dma_wait3A_76 = tpu.memref_slice %arg6[%dma_wait3A_75] : memref<5000xi32, #tpu.memory_space<vmem>> -> memref<8xi32, #tpu.memory_space<vmem>>
    %dma_wait3A_77 = arith.constant 0 : i32
    %dma_wait3A_78 = arith.constant 0 : i32
    %dma_wait3A_79 = tpu.memref_slice %arg2[%dma_wait3A_77, %dma_wait3A_78] : memref<10000x128xf32, #tpu.memory_space<hbm>> -> memref<10000x128xf32, #tpu.memory_space<hbm>>
    tpu.wait_indirect_dma semaphore(%arg15 : memref<!tpu.dma_semaphore, #tpu.memory_space<semaphore_mem>>) src(%dma_wait3A_79 : memref<10000x128xf32, #tpu.memory_space<hbm>>) dst(%dma_wait3A_74 : memref<8x128xf32, #tpu.memory_space<vmem>>)
    %dma_wait3A_80 = arith.constant 0 : i32
    %dma_wait3A_81 = arith.constant 0 : i32
    %dma_wait3A_82 = tpu.memref_slice %arg11[%dma_wait3A_80, %dma_wait3A_81] : memref<128x128xf32, #tpu.memory_space<vmem>> -> memref<8x128xf32, #tpu.memory_space<vmem>>
    %dma_wait3A_83 = arith.constant 4992 : i32
    %dma_wait3A_84 = tpu.memref_slice %arg7[%dma_wait3A_83] : memref<5000xi32, #tpu.memory_space<vmem>> -> memref<8xi32, #tpu.memory_space<vmem>>
    %dma_wait3A_85 = arith.constant 0 : i32
    %dma_wait3A_86 = arith.constant 0 : i32
    %dma_wait3A_87 = tpu.memref_slice %arg2[%dma_wait3A_85, %dma_wait3A_86] : memref<10000x128xf32, #tpu.memory_space<hbm>> -> memref<10000x128xf32, #tpu.memory_space<hbm>>
    tpu.wait_indirect_dma semaphore(%arg17 : memref<!tpu.dma_semaphore, #tpu.memory_space<semaphore_mem>>) src(%dma_wait3A_87 : memref<10000x128xf32, #tpu.memory_space<hbm>>) dst(%dma_wait3A_82 : memref<8x128xf32, #tpu.memory_space<vmem>>)
    %scan3A_88 = arith.constant 0 : i32
    %scan3A_89 = arith.constant 0 : i32
    %scan3A_90 = arith.constant 8 : i32
    %scan3A_91 = arith.addi %scan3A_89, %scan3A_90 : i32
    %scan3A_92 = arith.constant 1 : i32
    scf.for %scan3A_100 = %scan3A_89 to %scan3A_91 step %scan3A_92  : i32 {
      %get3A = arith.index_cast %scan3A_100 : i32 to index
      %get3A_101 = arith.constant 0 : index
      %get3A_102 = tpu.vector_load %arg9[%get3A, %get3A_101] {strides = array<i32>} : memref<128x128xf32, #tpu.memory_space<vmem>>, vector<1x16xf32>,
      %get3A_103 = vector.shape_cast %get3A_102 : vector<1x16xf32> to vector<16xf32>
      %get3A_104 = arith.index_cast %scan3A_100 : i32 to index
      %get3A_105 = arith.constant 64 : index
      %get3A_106 = tpu.vector_load %arg11[%get3A_104, %get3A_105] {strides = array<i32>} : memref<128x128xf32, #tpu.memory_space<vmem>>, vector<1x16xf32>,
      %get3A_107 = vector.shape_cast %get3A_106 : vector<1x16xf32> to vector<16xf32>
      %add3A_108 = arith.addf %get3A_103, %get3A_107 : vector<16xf32>
      %swap3A = arith.index_cast %scan3A_100 : i32 to index
      %swap3A_109 = arith.constant 0 : index
      %swap3A_110 = tpu.vector_load %arg13[%swap3A, %swap3A_109] {strides = array<i32>} : memref<128x64xf32, #tpu.memory_space<vmem>>, vector<1x16xf32>,
      %swap3A_111 = vector.shape_cast %swap3A_110 : vector<1x16xf32> to vector<16xf32>
      %swap3A_112 = vector.shape_cast %add3A_108 : vector<16xf32> to vector<1x16xf32>
      tpu.vector_store %arg13[%swap3A, %swap3A_109], %swap3A_112 {strides = array<i32>} : memref<128x64xf32, #tpu.memory_space<vmem>>, vector<1x16xf32>,
      %get3A_113 = arith.index_cast %scan3A_100 : i32 to index
      %get3A_114 = arith.constant 16 : index
      %get3A_115 = tpu.vector_load %arg9[%get3A_113, %get3A_114] {strides = array<i32>} : memref<128x128xf32, #tpu.memory_space<vmem>>, vector<1x16xf32>,
      %get3A_116 = vector.shape_cast %get3A_115 : vector<1x16xf32> to vector<16xf32>
      %get3A_117 = arith.index_cast %scan3A_100 : i32 to index
      %get3A_118 = arith.constant 80 : index
      %get3A_119 = tpu.vector_load %arg11[%get3A_117, %get3A_118] {strides = array<i32>} : memref<128x128xf32, #tpu.memory_space<vmem>>, vector<1x16xf32>,
      %get3A_120 = vector.shape_cast %get3A_119 : vector<1x16xf32> to vector<16xf32>
      %add3A_121 = arith.addf %get3A_116, %get3A_120 : vector<16xf32>
      %swap3A_122 = arith.index_cast %scan3A_100 : i32 to index
      %swap3A_123 = arith.constant 16 : index
      %swap3A_124 = tpu.vector_load %arg13[%swap3A_122, %swap3A_123] {strides = array<i32>} : memref<128x64xf32, #tpu.memory_space<vmem>>, vector<1x16xf32>,
      %swap3A_125 = vector.shape_cast %swap3A_124 : vector<1x16xf32> to vector<16xf32>
      %swap3A_126 = vector.shape_cast %add3A_121 : vector<16xf32> to vector<1x16xf32>
      tpu.vector_store %arg13[%swap3A_122, %swap3A_123], %swap3A_126 {strides = array<i32>} : memref<128x64xf32, #tpu.memory_space<vmem>>, vector<1x16xf32>,
      %get3A_127 = arith.index_cast %scan3A_100 : i32 to index
      %get3A_128 = arith.constant 32 : index
      %get3A_129 = tpu.vector_load %arg9[%get3A_127, %get3A_128] {strides = array<i32>} : memref<128x128xf32, #tpu.memory_space<vmem>>, vector<1x16xf32>,
      %get3A_130 = vector.shape_cast %get3A_129 : vector<1x16xf32> to vector<16xf32>
      %get3A_131 = arith.index_cast %scan3A_100 : i32 to index
      %get3A_132 = arith.constant 96 : index
      %get3A_133 = tpu.vector_load %arg11[%get3A_131, %get3A_132] {strides = array<i32>} : memref<128x128xf32, #tpu.memory_space<vmem>>, vector<1x16xf32>,
      %get3A_134 = vector.shape_cast %get3A_133 : vector<1x16xf32> to vector<16xf32>
      %add3A_135 = arith.addf %get3A_130, %get3A_134 : vector<16xf32>
      %swap3A_136 = arith.index_cast %scan3A_100 : i32 to index
      %swap3A_137 = arith.constant 32 : index
      %swap3A_138 = tpu.vector_load %arg13[%swap3A_136, %swap3A_137] {strides = array<i32>} : memref<128x64xf32, #tpu.memory_space<vmem>>, vector<1x16xf32>,
      %swap3A_139 = vector.shape_cast %swap3A_138 : vector<1x16xf32> to vector<16xf32>
      %swap3A_140 = vector.shape_cast %add3A_135 : vector<16xf32> to vector<1x16xf32>
      tpu.vector_store %arg13[%swap3A_136, %swap3A_137], %swap3A_140 {strides = array<i32>} : memref<128x64xf32, #tpu.memory_space<vmem>>, vector<1x16xf32>,
      %get3A_141 = arith.index_cast %scan3A_100 : i32 to index
      %get3A_142 = arith.constant 48 : index
      %get3A_143 = tpu.vector_load %arg9[%get3A_141, %get3A_142] {strides = array<i32>} : memref<128x128xf32, #tpu.memory_space<vmem>>, vector<1x16xf32>,
      %get3A_144 = vector.shape_cast %get3A_143 : vector<1x16xf32> to vector<16xf32>
      %get3A_145 = arith.index_cast %scan3A_100 : i32 to index
      %get3A_146 = arith.constant 112 : index
      %get3A_147 = tpu.vector_load %arg11[%get3A_145, %get3A_146] {strides = array<i32>} : memref<128x128xf32, #tpu.memory_space<vmem>>, vector<1x16xf32>,
      %get3A_148 = vector.shape_cast %get3A_147 : vector<1x16xf32> to vector<16xf32>
      %add3A_149 = arith.addf %get3A_144, %get3A_148 : vector<16xf32>
      %swap3A_150 = arith.index_cast %scan3A_100 : i32 to index
      %swap3A_151 = arith.constant 48 : index
      %swap3A_152 = tpu.vector_load %arg13[%swap3A_150, %swap3A_151] {strides = array<i32>} : memref<128x64xf32, #tpu.memory_space<vmem>>, vector<1x16xf32>,
      %swap3A_153 = vector.shape_cast %swap3A_152 : vector<1x16xf32> to vector<16xf32>
      %swap3A_154 = vector.shape_cast %add3A_149 : vector<16xf32> to vector<1x16xf32>
      tpu.vector_store %arg13[%swap3A_150, %swap3A_151], %swap3A_154 {strides = array<i32>} : memref<128x64xf32, #tpu.memory_space<vmem>>, vector<1x16xf32>,
    }
    %scan3A_93 = arith.constant 8 : i32
    %add3A_94 = arith.constant 4992 : i32
    %add3A_95 = arith.addi %mul3A_2, %add3A_94 : i32
    "tpu.region"() ({
      %run_scoped3A = tpu.sem_alloc : memref<!tpu.dma_semaphore, #tpu.memory_space<semaphore_mem>>
      %dma_start3A_100 = arith.constant 0 : i32
      %dma_start3A_101 = arith.constant 0 : i32
      %dma_start3A_102 = tpu.memref_slice %arg13[%dma_start3A_100, %dma_start3A_101] : memref<128x64xf32, #tpu.memory_space<vmem>> -> memref<8x64xf32, #tpu.memory_space<vmem>>
      %dma_start3A_103 = arith.constant 0 : i32
      %dma_start3A_104 = tpu.memref_slice %arg5[%add3A_95, %dma_start3A_103] : memref<160000x64xf32, #tpu.memory_space<hbm>> -> memref<8x64xf32, #tpu.memory_space<hbm>>
      %dma_start3A_105 = arith.constant 0 : i32
      %dma_start3A_106 = tpu.memref_slice %arg5[%add3A_95, %dma_start3A_105] : memref<160000x64xf32, #tpu.memory_space<hbm>> -> memref<8x64xf32, #tpu.memory_space<hbm>>
      %dma_start3A_107 = arith.constant 0 : i32
      %dma_start3A_108 = arith.constant 0 : i32
      %dma_start3A_109 = tpu.memref_slice %arg13[%dma_start3A_107, %dma_start3A_108] : memref<128x64xf32, #tpu.memory_space<vmem>> -> memref<8x64xf32, #tpu.memory_space<vmem>>
      tpu.enqueue_dma source(%dma_start3A_109 : memref<8x64xf32, #tpu.memory_space<vmem>>) target(%dma_start3A_106 : memref<8x64xf32, #tpu.memory_space<hbm>>) target_semaphore(%run_scoped3A : memref<!tpu.dma_semaphore, #tpu.memory_space<semaphore_mem>>)
      %dma_wait3A_110 = arith.constant 0 : i32
      %dma_wait3A_111 = arith.constant 0 : i32
      %dma_wait3A_112 = tpu.memref_slice %arg13[%dma_wait3A_110, %dma_wait3A_111] : memref<128x64xf32, #tpu.memory_space<vmem>> -> memref<8x64xf32, #tpu.memory_space<vmem>>
      %dma_wait3A_113 = arith.constant 0 : i32
      %dma_wait3A_114 = tpu.memref_slice %arg5[%add3A_95, %dma_wait3A_113] : memref<160000x64xf32, #tpu.memory_space<hbm>> -> memref<8x64xf32, #tpu.memory_space<hbm>>
      %dma_wait3A_115 = arith.constant 0 : i32
      %dma_wait3A_116 = tpu.memref_slice %arg5[%add3A_95, %dma_wait3A_115] : memref<160000x64xf32, #tpu.memory_space<hbm>> -> memref<8x64xf32, #tpu.memory_space<hbm>>
      %dma_wait3A_117 = arith.constant 0 : i32
      %dma_wait3A_118 = arith.constant 0 : i32
      %dma_wait3A_119 = tpu.memref_slice %arg13[%dma_wait3A_117, %dma_wait3A_118] : memref<128x64xf32, #tpu.memory_space<vmem>> -> memref<8x64xf32, #tpu.memory_space<vmem>>
      tpu.wait_dma2 semaphore(%run_scoped3A : memref<!tpu.dma_semaphore, #tpu.memory_space<semaphore_mem>>) src(%dma_wait3A_119 : memref<8x64xf32, #tpu.memory_space<vmem>>) dst(%dma_wait3A_116 : memref<8x64xf32, #tpu.memory_space<hbm>>)
      tpu.yield
    }) : () -> ()
    %dma_wait3A_96 = arith.constant 0 : i32
    %dma_wait3A_97 = tpu.memref_slice %arg5[%mul3A_2, %dma_wait3A_96] : memref<160000x64xf32, #tpu.memory_space<hbm>> -> memref<128x64xf32, #tpu.memory_space<hbm>>
    %dma_wait3A_98 = arith.constant 0 : i32
    %dma_wait3A_99 = tpu.memref_slice %arg5[%mul3A_2, %dma_wait3A_98] : memref<160000x64xf32, #tpu.memory_space<hbm>> -> memref<128x64xf32, #tpu.memory_space<hbm>>
    tpu.wait_dma2 semaphore(%arg18 : memref<!tpu.dma_semaphore, #tpu.memory_space<semaphore_mem>>) src(%arg12 : memref<128x64xf32, #tpu.memory_space<vmem>>) dst(%dma_wait3A_99 : memref<128x64xf32, #tpu.memory_space<hbm>>)
    return
  }
}

module attributes {stable_mosaic.version = 14 : i64} {
  func.func @_proj_body(%arg0: memref<10000x256xf32, #tpu.memory_space<vmem>>, %arg1: memref<1x256xf32, #tpu.memory_space<vmem>>, %arg2: memref<1x256xf32, #tpu.memory_space<vmem>>, %arg3: memref<256x64xf32, #tpu.memory_space<vmem>>, %arg4: memref<256x64xf32, #tpu.memory_space<vmem>>, %arg5: memref<1x64xf32, #tpu.memory_space<vmem>>, %arg6: memref<10000x128xf32, #tpu.memory_space<vmem>>, %arg7: memref<1x64xf32, #tpu.memory_space<vmem>>) attributes {dimension_semantics = [], scalar_prefetch = 0 : i64, scratch_operands = 0 : i64, tpu.core_type = #tpu.core_type<tc>} {
    %get3A = arith.constant 0 : index
    %get3A_0 = arith.constant 0 : index
    %get3A_1 = vector.load %arg0[%get3A, %get3A_0] : memref<10000x256xf32, #tpu.memory_space<vmem>>, vector<10000x256xf32>
    %reduce_sum3A = arith.constant dense<0.000000e+00> : vector<256xf32>
    %reduce_sum3A_2 = vector.multi_reduction <add>, %get3A_1, %reduce_sum3A [0] : vector<10000x256xf32> to vector<256xf32>
    %broadcast_in_dim3A = vector.shape_cast %reduce_sum3A_2 : vector<256xf32> to vector<1x256xf32>
    %div3A = arith.constant 1.000000e+04 : f32
    %div3A_3 = vector.broadcast %div3A : f32 to vector<1x256xf32>
    %div3A_4 = arith.divf %broadcast_in_dim3A, %div3A_3 : vector<1x256xf32>
    %sub3A = vector.broadcast %div3A_4 : vector<1x256xf32> to vector<10000x256xf32>
    %sub3A_5 = arith.subf %get3A_1, %sub3A : vector<10000x256xf32>
    %mul3A = arith.mulf %sub3A_5, %sub3A_5 : vector<10000x256xf32>
    %reduce_sum3A_6 = arith.constant dense<0.000000e+00> : vector<256xf32>
    %reduce_sum3A_7 = vector.multi_reduction <add>, %mul3A, %reduce_sum3A_6 [0] : vector<10000x256xf32> to vector<256xf32>
    %broadcast_in_dim3A_8 = vector.shape_cast %reduce_sum3A_7 : vector<256xf32> to vector<1x256xf32>
    %div3A_9 = arith.constant 1.000000e+04 : f32
    %div3A_10 = vector.broadcast %div3A_9 : f32 to vector<1x256xf32>
    %div3A_11 = arith.divf %broadcast_in_dim3A_8, %div3A_10 : vector<1x256xf32>
    %get3A_12 = arith.constant 0 : index
    %get3A_13 = arith.constant 0 : index
    %get3A_14 = vector.load %arg1[%get3A_12, %get3A_13] : memref<1x256xf32, #tpu.memory_space<vmem>>, vector<1x256xf32>
    %add3A = arith.constant 9.99999974E-6 : f32
    %add3A_15 = vector.broadcast %add3A : f32 to vector<1x256xf32>
    %add3A_16 = arith.addf %div3A_11, %add3A_15 : vector<1x256xf32>
    %rsqrt3A = math.rsqrt %add3A_16 : vector<1x256xf32>
    %mul3A_17 = arith.mulf %get3A_14, %rsqrt3A : vector<1x256xf32>
    %get3A_18 = arith.constant 0 : index
    %get3A_19 = arith.constant 0 : index
    %get3A_20 = vector.load %arg2[%get3A_18, %get3A_19] : memref<1x256xf32, #tpu.memory_space<vmem>>, vector<1x256xf32>
    %mul3A_21 = arith.mulf %div3A_4, %mul3A_17 : vector<1x256xf32>
    %sub3A_22 = arith.subf %get3A_20, %mul3A_21 : vector<1x256xf32>
    %mul3A_23 = vector.broadcast %mul3A_17 : vector<1x256xf32> to vector<10000x256xf32>
    %mul3A_24 = arith.mulf %get3A_1, %mul3A_23 : vector<10000x256xf32>
    %add3A_25 = vector.broadcast %sub3A_22 : vector<1x256xf32> to vector<10000x256xf32>
    %add3A_26 = arith.addf %mul3A_24, %add3A_25 : vector<10000x256xf32>
    %get3A_27 = arith.constant 0 : index
    %get3A_28 = arith.constant 0 : index
    %get3A_29 = vector.load %arg3[%get3A_27, %get3A_28] : memref<256x64xf32, #tpu.memory_space<vmem>>, vector<256x64xf32>
    %get3A_30 = arith.constant 0 : index
    %get3A_31 = arith.constant 0 : index
    %get3A_32 = vector.load %arg4[%get3A_30, %get3A_31] : memref<256x64xf32, #tpu.memory_space<vmem>>, vector<256x64xf32>
    %dot_general3A = arith.constant dense<0.000000e+00> : vector<10000x64xf32>
    %dot_general3A_33 = tpu.matmul %add3A_26, %get3A_29, %dot_general3A {dimension_numbers = #tpu.dot_dimension_numbers<[1], [0], [0], [1], [0, 0, 1, 1], [], []>, transpose_lhs_hint = false} : vector<10000x256xf32>, vector<256x64xf32>, vector<10000x64xf32> -> vector<10000x64xf32>
    %dot_general3A_34 = arith.constant dense<0.000000e+00> : vector<10000x64xf32>
    %dot_general3A_35 = tpu.matmul %add3A_26, %get3A_32, %dot_general3A_34 {dimension_numbers = #tpu.dot_dimension_numbers<[1], [0], [0], [1], [0, 0, 1, 1], [], []>, transpose_lhs_hint = false} : vector<10000x256xf32>, vector<256x64xf32>, vector<10000x64xf32> -> vector<10000x64xf32>
    %concatenate3A = tpu.concatenate %dot_general3A_33, %dot_general3A_35 in 1 : vector<10000x64xf32>, vector<10000x64xf32> -> vector<10000x128xf32>
    %swap3A = arith.constant 0 : index
    %swap3A_36 = arith.constant 0 : index
    %swap3A_37 = vector.load %arg6[%swap3A, %swap3A_36] : memref<10000x128xf32, #tpu.memory_space<vmem>>, vector<10000x128xf32>
    tpu.vector_store %arg6[%swap3A, %swap3A_36], %concatenate3A {strides = array<i32>} : memref<10000x128xf32, #tpu.memory_space<vmem>>, vector<10000x128xf32>,
    %get3A_38 = arith.constant 0 : index
    %get3A_39 = arith.constant 0 : index
    %get3A_40 = vector.load %arg5[%get3A_38, %get3A_39] : memref<1x64xf32, #tpu.memory_space<vmem>>, vector<1x64xf32>
    %dot_general3A_41 = arith.constant dense<0.000000e+00> : vector<1x64xf32>
    %dot_general3A_42 = tpu.matmul %sub3A_22, %get3A_29, %dot_general3A_41 {dimension_numbers = #tpu.dot_dimension_numbers<[1], [0], [0], [1], [0, 0, 1, 1], [], []>, transpose_lhs_hint = false} : vector<1x256xf32>, vector<256x64xf32>, vector<1x64xf32> -> vector<1x64xf32>
    %add3A_43 = arith.addf %get3A_40, %dot_general3A_42 : vector<1x64xf32>
    %dot_general3A_44 = arith.constant dense<0.000000e+00> : vector<1x64xf32>
    %dot_general3A_45 = tpu.matmul %sub3A_22, %get3A_32, %dot_general3A_44 {dimension_numbers = #tpu.dot_dimension_numbers<[1], [0], [0], [1], [0, 0, 1, 1], [], []>, transpose_lhs_hint = false} : vector<1x256xf32>, vector<256x64xf32>, vector<1x64xf32> -> vector<1x64xf32>
    %add3A_46 = arith.addf %add3A_43, %dot_general3A_45 : vector<1x64xf32>
    %swap3A_47 = arith.constant 0 : index
    %swap3A_48 = arith.constant 0 : index
    %swap3A_49 = vector.load %arg7[%swap3A_47, %swap3A_48] : memref<1x64xf32, #tpu.memory_space<vmem>>, vector<1x64xf32>
    tpu.vector_store %arg7[%swap3A_47, %swap3A_48], %add3A_46 {strides = array<i32>} : memref<1x64xf32, #tpu.memory_space<vmem>>, vector<1x64xf32>,
    return
  }
}

module attributes {stable_mosaic.version = 14 : i64} {
  func.func @_estats_body(%arg0: i32, %arg1: memref<32000x16xf32, #tpu.memory_space<vmem>>, %arg2: memref<1x16xf32, #tpu.memory_space<vmem>>, %arg3: memref<1x16xf32, #tpu.memory_space<vmem>>, %arg4: memref<1x16xf32, #tpu.memory_space<vmem>>, %arg5: memref<1x16xf32, #tpu.memory_space<vmem>>, %arg6: memref<2x16xf32, #tpu.memory_space<vmem>>) attributes {dimension_semantics = [#tpu.dimension_semantics<arbitrary>], iteration_bounds = array<i64: 5>, scalar_prefetch = 0 : i64, scratch_operands = 1 : i64, tpu.core_type = #tpu.core_type<tc>, window_params = [{transform_indices = @transform_0, window_bounds = array<i64: 32000, 16>}, {pipeline_mode = #tpu.pipeline_mode<synchronous>, transform_indices = @transform_1, window_bounds = array<i64: 1, 16>}, {pipeline_mode = #tpu.pipeline_mode<synchronous>, transform_indices = @transform_2, window_bounds = array<i64: 1, 16>}, {pipeline_mode = #tpu.pipeline_mode<synchronous>, transform_indices = @transform_3, window_bounds = array<i64: 1, 16>}, {pipeline_mode = #tpu.pipeline_mode<synchronous>, transform_indices = @transform_4, window_bounds = array<i64: 1, 16>}]} {
    %eq3A = arith.constant 0 : i32
    %eq3A_0 = arith.cmpi eq, %arg0, %eq3A : i32
    %convert_element_type3A = arith.extui %eq3A_0 : i1 to i32
    %cond3A = arith.constant 0 : i32
    %cond3A_1 = arith.cmpi ne, %convert_element_type3A, %cond3A : i32
    scf.if %cond3A_1 {
      %broadcast_in_dim3A_25 = arith.constant 0.000000e+00 : f32
      %broadcast_in_dim3A_26 = vector.broadcast %broadcast_in_dim3A_25 : f32 to vector<2x16xf32>
      %swap3A_27 = arith.constant 0 : index
      %swap3A_28 = arith.constant 0 : index
      %swap3A_29 = vector.load %arg6[%swap3A_27, %swap3A_28] : memref<2x16xf32, #tpu.memory_space<vmem>>, vector<2x16xf32>
      tpu.vector_store %arg6[%swap3A_27, %swap3A_28], %broadcast_in_dim3A_26 {strides = array<i32>} : memref<2x16xf32, #tpu.memory_space<vmem>>, vector<2x16xf32>,
    } else {
    }
    %get3A = arith.constant 0 : index
    %get3A_2 = arith.constant 0 : index
    %get3A_3 = vector.load %arg1[%get3A, %get3A_2] : memref<32000x16xf32, #tpu.memory_space<vmem>>, vector<32000x16xf32>
    %get3A_4 = arith.constant 0 : index
    %get3A_5 = arith.constant 0 : index
    %get3A_6 = vector.load %arg6[%get3A_4, %get3A_5] : memref<2x16xf32, #tpu.memory_space<vmem>>, vector<1x16xf32>
    %reduce_sum3A = arith.constant dense<0.000000e+00> : vector<16xf32>
    %reduce_sum3A_7 = vector.multi_reduction <add>, %get3A_3, %reduce_sum3A [0] : vector<32000x16xf32> to vector<16xf32>
    %broadcast_in_dim3A = vector.shape_cast %reduce_sum3A_7 : vector<16xf32> to vector<1x16xf32>
    %add3A = arith.addf %get3A_6, %broadcast_in_dim3A : vector<1x16xf32>
    %swap3A = arith.constant 0 : index
    %swap3A_8 = arith.constant 0 : index
    %swap3A_9 = vector.load %arg6[%swap3A, %swap3A_8] : memref<2x16xf32, #tpu.memory_space<vmem>>, vector<1x16xf32>
    tpu.vector_store %arg6[%swap3A, %swap3A_8], %add3A {strides = array<i32>} : memref<2x16xf32, #tpu.memory_space<vmem>>, vector<1x16xf32>,
    %get3A_10 = arith.constant 1 : index
    %get3A_11 = arith.constant 0 : index
    %get3A_12 = vector.load %arg6[%get3A_10, %get3A_11] : memref<2x16xf32, #tpu.memory_space<vmem>>, vector<1x16xf32>
    %mul3A = arith.mulf %get3A_3, %get3A_3 : vector<32000x16xf32>
    %reduce_sum3A_13 = arith.constant dense<0.000000e+00> : vector<16xf32>
    %reduce_sum3A_14 = vector.multi_reduction <add>, %mul3A, %reduce_sum3A_13 [0] : vector<32000x16xf32> to vector<16xf32>
    %broadcast_in_dim3A_15 = vector.shape_cast %reduce_sum3A_14 : vector<16xf32> to vector<1x16xf32>
    %add3A_16 = arith.addf %get3A_12, %broadcast_in_dim3A_15 : vector<1x16xf32>
    %swap3A_17 = arith.constant 1 : index
    %swap3A_18 = arith.constant 0 : index
    %swap3A_19 = vector.load %arg6[%swap3A_17, %swap3A_18] : memref<2x16xf32, #tpu.memory_space<vmem>>, vector<1x16xf32>
    tpu.vector_store %arg6[%swap3A_17, %swap3A_18], %add3A_16 {strides = array<i32>} : memref<2x16xf32, #tpu.memory_space<vmem>>, vector<1x16xf32>,
    %eq3A_20 = arith.constant 4 : i32
    %eq3A_21 = arith.cmpi eq, %arg0, %eq3A_20 : i32
    %convert_element_type3A_22 = arith.extui %eq3A_21 : i1 to i32
    %cond3A_23 = arith.constant 0 : i32
    %cond3A_24 = arith.cmpi ne, %convert_element_type3A_22, %cond3A_23 : i32
    scf.if %cond3A_24 {
      %get3A_25 = arith.constant 0 : index
      %get3A_26 = arith.constant 0 : index
      %get3A_27 = vector.load %arg6[%get3A_25, %get3A_26] : memref<2x16xf32, #tpu.memory_space<vmem>>, vector<1x16xf32>
      %div3A = arith.constant 1.600000e+05 : f32
      %div3A_28 = vector.broadcast %div3A : f32 to vector<1x16xf32>
      %div3A_29 = arith.divf %get3A_27, %div3A_28 : vector<1x16xf32>
      %get3A_30 = arith.constant 1 : index
      %get3A_31 = arith.constant 0 : index
      %get3A_32 = vector.load %arg6[%get3A_30, %get3A_31] : memref<2x16xf32, #tpu.memory_space<vmem>>, vector<1x16xf32>
      %div3A_33 = arith.constant 1.600000e+05 : f32
      %div3A_34 = vector.broadcast %div3A_33 : f32 to vector<1x16xf32>
      %div3A_35 = arith.divf %get3A_32, %div3A_34 : vector<1x16xf32>
      %mul3A_36 = arith.mulf %div3A_29, %div3A_29 : vector<1x16xf32>
      %sub3A = arith.subf %div3A_35, %mul3A_36 : vector<1x16xf32>
      %get3A_37 = arith.constant 0 : index
      %get3A_38 = arith.constant 0 : index
      %get3A_39 = vector.load %arg2[%get3A_37, %get3A_38] : memref<1x16xf32, #tpu.memory_space<vmem>>, vector<1x16xf32>
      %add3A_40 = arith.constant 9.99999974E-6 : f32
      %add3A_41 = vector.broadcast %add3A_40 : f32 to vector<1x16xf32>
      %add3A_42 = arith.addf %sub3A, %add3A_41 : vector<1x16xf32>
      %rsqrt3A = math.rsqrt %add3A_42 : vector<1x16xf32>
      %mul3A_43 = arith.mulf %get3A_39, %rsqrt3A : vector<1x16xf32>
      %swap3A_44 = arith.constant 0 : index
      %swap3A_45 = arith.constant 0 : index
      %swap3A_46 = vector.load %arg4[%swap3A_44, %swap3A_45] : memref<1x16xf32, #tpu.memory_space<vmem>>, vector<1x16xf32>
      tpu.vector_store %arg4[%swap3A_44, %swap3A_45], %mul3A_43 {strides = array<i32>} : memref<1x16xf32, #tpu.memory_space<vmem>>, vector<1x16xf32>,
      %get3A_47 = arith.constant 0 : index
      %get3A_48 = arith.constant 0 : index
      %get3A_49 = vector.load %arg3[%get3A_47, %get3A_48] : memref<1x16xf32, #tpu.memory_space<vmem>>, vector<1x16xf32>
      %mul3A_50 = arith.mulf %div3A_29, %mul3A_43 : vector<1x16xf32>
      %sub3A_51 = arith.subf %get3A_49, %mul3A_50 : vector<1x16xf32>
      %swap3A_52 = arith.constant 0 : index
      %swap3A_53 = arith.constant 0 : index
      %swap3A_54 = vector.load %arg5[%swap3A_52, %swap3A_53] : memref<1x16xf32, #tpu.memory_space<vmem>>, vector<1x16xf32>
      tpu.vector_store %arg5[%swap3A_52, %swap3A_53], %sub3A_51 {strides = array<i32>} : memref<1x16xf32, #tpu.memory_space<vmem>>, vector<1x16xf32>,
    } else {
    }
    return
  }
  func.func @transform_0(%arg0: i32) -> (i32, i32) {
    %c0_i32 = arith.constant 0 : i32
    %c0_i32_0 = arith.constant 0 : i32
    return %arg0, %c0_i32 : i32, i32
  }
  func.func @transform_1(%arg0: i32) -> (i32, i32) {
    %c0_i32 = arith.constant 0 : i32
    %c0_i32_0 = arith.constant 0 : i32
    %c0_i32_1 = arith.constant 0 : i32
    return %c0_i32, %c0_i32_0 : i32, i32
  }
  func.func @transform_2(%arg0: i32) -> (i32, i32) {
    %c0_i32 = arith.constant 0 : i32
    %c0_i32_0 = arith.constant 0 : i32
    %c0_i32_1 = arith.constant 0 : i32
    return %c0_i32, %c0_i32_0 : i32, i32
  }
  func.func @transform_3(%arg0: i32) -> (i32, i32) {
    %c0_i32 = arith.constant 0 : i32
    %c0_i32_0 = arith.constant 0 : i32
    %c0_i32_1 = arith.constant 0 : i32
    return %c0_i32, %c0_i32_0 : i32, i32
  }
  func.func @transform_4(%arg0: i32) -> (i32, i32) {
    %c0_i32 = arith.constant 0 : i32
    %c0_i32_0 = arith.constant 0 : i32
    %c0_i32_1 = arith.constant 0 : i32
    return %c0_i32, %c0_i32_0 : i32, i32
  }
}

module attributes {stable_mosaic.version = 14 : i64} {
  func.func @_mlp_body(%arg0: i32, %arg1: memref<8192x64xf32, #tpu.memory_space<vmem>>, %arg2: memref<8192x16xf32, #tpu.memory_space<vmem>>, %arg3: memref<1x16xf32, #tpu.memory_space<vmem>>, %arg4: memref<1x16xf32, #tpu.memory_space<vmem>>, %arg5: memref<16x64xf32, #tpu.memory_space<vmem>>, %arg6: memref<1x64xf32, #tpu.memory_space<vmem>>, %arg7: memref<64x32xf32, #tpu.memory_space<vmem>>, %arg8: memref<1x32xf32, #tpu.memory_space<vmem>>, %arg9: memref<32x16xf32, #tpu.memory_space<vmem>>, %arg10: memref<1x16xf32, #tpu.memory_space<vmem>>, %arg11: memref<16x8xf32, #tpu.memory_space<vmem>>, %arg12: memref<1x8xf32, #tpu.memory_space<vmem>>, %arg13: memref<8x2xf32, #tpu.memory_space<vmem>>, %arg14: memref<1x2xf32, #tpu.memory_space<vmem>>, %arg15: memref<8192x2xf32, #tpu.memory_space<vmem>>) attributes {dimension_semantics = [#tpu.dimension_semantics<arbitrary>], iteration_bounds = array<i64: 20>, scalar_prefetch = 0 : i64, scratch_operands = 0 : i64, tpu.core_type = #tpu.core_type<tc>, window_params = [{transform_indices = @transform_0, window_bounds = array<i64: 8192, 64>}, {transform_indices = @transform_1, window_bounds = array<i64: 8192, 16>}, {pipeline_mode = #tpu.pipeline_mode<synchronous>, transform_indices = @transform_2, window_bounds = array<i64: 1, 16>}, {pipeline_mode = #tpu.pipeline_mode<synchronous>, transform_indices = @transform_3, window_bounds = array<i64: 1, 16>}, {pipeline_mode = #tpu.pipeline_mode<synchronous>, transform_indices = @transform_4, window_bounds = array<i64: 16, 64>}, {pipeline_mode = #tpu.pipeline_mode<synchronous>, transform_indices = @transform_5, window_bounds = array<i64: 1, 64>}, {pipeline_mode = #tpu.pipeline_mode<synchronous>, transform_indices = @transform_6, window_bounds = array<i64: 64, 32>}, {pipeline_mode = #tpu.pipeline_mode<synchronous>, transform_indices = @transform_7, window_bounds = array<i64: 1, 32>}, {pipeline_mode = #tpu.pipeline_mode<synchronous>, transform_indices = @transform_8, window_bounds = array<i64: 32, 16>}, {pipeline_mode = #tpu.pipeline_mode<synchronous>, transform_indices = @transform_9, window_bounds = array<i64: 1, 16>}, {pipeline_mode = #tpu.pipeline_mode<synchronous>, transform_indices = @transform_10, window_bounds = array<i64: 16, 8>}, {pipeline_mode = #tpu.pipeline_mode<synchronous>, transform_indices = @transform_11, window_bounds = array<i64: 1, 8>}, {pipeline_mode = #tpu.pipeline_mode<synchronous>, transform_indices = @transform_12, window_bounds = array<i64: 8, 2>}, {pipeline_mode = #tpu.pipeline_mode<synchronous>, transform_indices = @transform_13, window_bounds = array<i64: 1, 2>}, {transform_indices = @transform_14, window_bounds = array<i64: 8192, 2>}]} {
    %get3A = arith.constant 0 : index
    %get3A_0 = arith.constant 0 : index
    %get3A_1 = vector.load %arg2[%get3A, %get3A_0] : memref<8192x16xf32, #tpu.memory_space<vmem>>, vector<8192x16xf32>
    %get3A_2 = arith.constant 0 : index
    %get3A_3 = arith.constant 0 : index
    %get3A_4 = vector.load %arg3[%get3A_2, %get3A_3] : memref<1x16xf32, #tpu.memory_space<vmem>>, vector<1x16xf32>
    %mul3A = vector.broadcast %get3A_4 : vector<1x16xf32> to vector<8192x16xf32>
    %mul3A_5 = arith.mulf %get3A_1, %mul3A : vector<8192x16xf32>
    %get3A_6 = arith.constant 0 : index
    %get3A_7 = arith.constant 0 : index
    %get3A_8 = vector.load %arg4[%get3A_6, %get3A_7] : memref<1x16xf32, #tpu.memory_space<vmem>>, vector<1x16xf32>
    %add3A = vector.broadcast %get3A_8 : vector<1x16xf32> to vector<8192x16xf32>
    %add3A_9 = arith.addf %mul3A_5, %add3A : vector<8192x16xf32>
    %get3A_10 = arith.constant 0 : index
    %get3A_11 = arith.constant 0 : index
    %get3A_12 = vector.load %arg1[%get3A_10, %get3A_11] : memref<8192x64xf32, #tpu.memory_space<vmem>>, vector<8192x64xf32>
    %get3A_13 = arith.constant 0 : index
    %get3A_14 = arith.constant 0 : index
    %get3A_15 = vector.load %arg6[%get3A_13, %get3A_14] : memref<1x64xf32, #tpu.memory_space<vmem>>, vector<1x64xf32>
    %add3A_16 = vector.broadcast %get3A_15 : vector<1x64xf32> to vector<8192x64xf32>
    %add3A_17 = arith.addf %get3A_12, %add3A_16 : vector<8192x64xf32>
    %get3A_18 = arith.constant 0 : index
    %get3A_19 = arith.constant 0 : index
    %get3A_20 = vector.load %arg5[%get3A_18, %get3A_19] : memref<16x64xf32, #tpu.memory_space<vmem>>, vector<16x64xf32>
    %dot_general3A = arith.constant dense<0.000000e+00> : vector<8192x64xf32>
    %dot_general3A_21 = tpu.matmul %add3A_9, %get3A_20, %dot_general3A {dimension_numbers = #tpu.dot_dimension_numbers<[1], [0], [0], [1], [0, 0, 1, 1], [], []>, transpose_lhs_hint = false} : vector<8192x16xf32>, vector<16x64xf32>, vector<8192x64xf32> -> vector<8192x64xf32>
    %add3A_22 = arith.addf %add3A_17, %dot_general3A_21 : vector<8192x64xf32>
    %ge3A = arith.constant 0.000000e+00 : f32
    %ge3A_23 = vector.broadcast %ge3A : f32 to vector<8192x64xf32>
    %ge3A_24 = arith.cmpf oge, %add3A_22, %ge3A_23 : vector<8192x64xf32>
    %mul3A_25 = arith.constant 1.000000e-01 : f32
    %mul3A_26 = vector.broadcast %mul3A_25 : f32 to vector<8192x64xf32>
    %mul3A_27 = arith.mulf %mul3A_26, %add3A_22 : vector<8192x64xf32>
    %select_n3A = arith.select %ge3A_24, %add3A_22, %mul3A_27 : vector<8192x64xi1>, vector<8192x64xf32>
    %get3A_28 = arith.constant 0 : index
    %get3A_29 = arith.constant 0 : index
    %get3A_30 = vector.load %arg7[%get3A_28, %get3A_29] : memref<64x32xf32, #tpu.memory_space<vmem>>, vector<64x32xf32>
    %dot_general3A_31 = arith.constant dense<0.000000e+00> : vector<8192x32xf32>
    %dot_general3A_32 = tpu.matmul %select_n3A, %get3A_30, %dot_general3A_31 {dimension_numbers = #tpu.dot_dimension_numbers<[1], [0], [0], [1], [0, 0, 1, 1], [], []>, transpose_lhs_hint = false} : vector<8192x64xf32>, vector<64x32xf32>, vector<8192x32xf32> -> vector<8192x32xf32>
    %get3A_33 = arith.constant 0 : index
    %get3A_34 = arith.constant 0 : index
    %get3A_35 = vector.load %arg8[%get3A_33, %get3A_34] : memref<1x32xf32, #tpu.memory_space<vmem>>, vector<1x32xf32>
    %add3A_36 = vector.broadcast %get3A_35 : vector<1x32xf32> to vector<8192x32xf32>
    %add3A_37 = arith.addf %dot_general3A_32, %add3A_36 : vector<8192x32xf32>
    %ge3A_38 = arith.constant 0.000000e+00 : f32
    %ge3A_39 = vector.broadcast %ge3A_38 : f32 to vector<8192x32xf32>
    %ge3A_40 = arith.cmpf oge, %add3A_37, %ge3A_39 : vector<8192x32xf32>
    %mul3A_41 = arith.constant 1.000000e-01 : f32
    %mul3A_42 = vector.broadcast %mul3A_41 : f32 to vector<8192x32xf32>
    %mul3A_43 = arith.mulf %mul3A_42, %add3A_37 : vector<8192x32xf32>
    %select_n3A_44 = arith.select %ge3A_40, %add3A_37, %mul3A_43 : vector<8192x32xi1>, vector<8192x32xf32>
    %get3A_45 = arith.constant 0 : index
    %get3A_46 = arith.constant 0 : index
    %get3A_47 = vector.load %arg9[%get3A_45, %get3A_46] : memref<32x16xf32, #tpu.memory_space<vmem>>, vector<32x16xf32>
    %dot_general3A_48 = arith.constant dense<0.000000e+00> : vector<8192x16xf32>
    %dot_general3A_49 = tpu.matmul %select_n3A_44, %get3A_47, %dot_general3A_48 {dimension_numbers = #tpu.dot_dimension_numbers<[1], [0], [0], [1], [0, 0, 1, 1], [], []>, transpose_lhs_hint = false} : vector<8192x32xf32>, vector<32x16xf32>, vector<8192x16xf32> -> vector<8192x16xf32>
    %get3A_50 = arith.constant 0 : index
    %get3A_51 = arith.constant 0 : index
    %get3A_52 = vector.load %arg10[%get3A_50, %get3A_51] : memref<1x16xf32, #tpu.memory_space<vmem>>, vector<1x16xf32>
    %add3A_53 = vector.broadcast %get3A_52 : vector<1x16xf32> to vector<8192x16xf32>
    %add3A_54 = arith.addf %dot_general3A_49, %add3A_53 : vector<8192x16xf32>
    %ge3A_55 = arith.constant 0.000000e+00 : f32
    %ge3A_56 = vector.broadcast %ge3A_55 : f32 to vector<8192x16xf32>
    %ge3A_57 = arith.cmpf oge, %add3A_54, %ge3A_56 : vector<8192x16xf32>
    %mul3A_58 = arith.constant 1.000000e-01 : f32
    %mul3A_59 = vector.broadcast %mul3A_58 : f32 to vector<8192x16xf32>
    %mul3A_60 = arith.mulf %mul3A_59, %add3A_54 : vector<8192x16xf32>
    %select_n3A_61 = arith.select %ge3A_57, %add3A_54, %mul3A_60 : vector<8192x16xi1>, vector<8192x16xf32>
    %get3A_62 = arith.constant 0 : index
    %get3A_63 = arith.constant 0 : index
    %get3A_64 = vector.load %arg11[%get3A_62, %get3A_63] : memref<16x8xf32, #tpu.memory_space<vmem>>, vector<16x8xf32>
    %dot_general3A_65 = arith.constant dense<0.000000e+00> : vector<8192x8xf32>
    %dot_general3A_66 = tpu.matmul %select_n3A_61, %get3A_64, %dot_general3A_65 {dimension_numbers = #tpu.dot_dimension_numbers<[1], [0], [0], [1], [0, 0, 1, 1], [], []>, transpose_lhs_hint = false} : vector<8192x16xf32>, vector<16x8xf32>, vector<8192x8xf32> -> vector<8192x8xf32>
    %get3A_67 = arith.constant 0 : index
    %get3A_68 = arith.constant 0 : index
    %get3A_69 = vector.load %arg12[%get3A_67, %get3A_68] : memref<1x8xf32, #tpu.memory_space<vmem>>, vector<1x8xf32>
    %add3A_70 = vector.broadcast %get3A_69 : vector<1x8xf32> to vector<8192x8xf32>
    %add3A_71 = arith.addf %dot_general3A_66, %add3A_70 : vector<8192x8xf32>
    %ge3A_72 = arith.constant 0.000000e+00 : f32
    %ge3A_73 = vector.broadcast %ge3A_72 : f32 to vector<8192x8xf32>
    %ge3A_74 = arith.cmpf oge, %add3A_71, %ge3A_73 : vector<8192x8xf32>
    %mul3A_75 = arith.constant 1.000000e-01 : f32
    %mul3A_76 = vector.broadcast %mul3A_75 : f32 to vector<8192x8xf32>
    %mul3A_77 = arith.mulf %mul3A_76, %add3A_71 : vector<8192x8xf32>
    %select_n3A_78 = arith.select %ge3A_74, %add3A_71, %mul3A_77 : vector<8192x8xi1>, vector<8192x8xf32>
    %get3A_79 = arith.constant 0 : index
    %get3A_80 = arith.constant 0 : index
    %get3A_81 = vector.load %arg13[%get3A_79, %get3A_80] : memref<8x2xf32, #tpu.memory_space<vmem>>, vector<8x2xf32>
    %dot_general3A_82 = arith.constant dense<0.000000e+00> : vector<8192x2xf32>
    %dot_general3A_83 = tpu.matmul %select_n3A_78, %get3A_81, %dot_general3A_82 {dimension_numbers = #tpu.dot_dimension_numbers<[1], [0], [0], [1], [0, 0, 1, 1], [], []>, transpose_lhs_hint = false} : vector<8192x8xf32>, vector<8x2xf32>, vector<8192x2xf32> -> vector<8192x2xf32>
    %get3A_84 = arith.constant 0 : index
    %get3A_85 = arith.constant 0 : index
    %get3A_86 = vector.load %arg14[%get3A_84, %get3A_85] : memref<1x2xf32, #tpu.memory_space<vmem>>, vector<1x2xf32>
    %add3A_87 = vector.broadcast %get3A_86 : vector<1x2xf32> to vector<8192x2xf32>
    %add3A_88 = arith.addf %dot_general3A_83, %add3A_87 : vector<8192x2xf32>
    %swap3A = arith.constant 0 : index
    %swap3A_89 = arith.constant 0 : index
    %swap3A_90 = vector.load %arg15[%swap3A, %swap3A_89] : memref<8192x2xf32, #tpu.memory_space<vmem>>, vector<8192x2xf32>
    tpu.vector_store %arg15[%swap3A, %swap3A_89], %add3A_88 {strides = array<i32>} : memref<8192x2xf32, #tpu.memory_space<vmem>>, vector<8192x2xf32>,
    return
  }
  func.func @transform_0(%arg0: i32) -> (i32, i32) {
    %c0_i32 = arith.constant 0 : i32
    %c0_i32_0 = arith.constant 0 : i32
    return %arg0, %c0_i32 : i32, i32
  }
  func.func @transform_1(%arg0: i32) -> (i32, i32) {
    %c0_i32 = arith.constant 0 : i32
    %c0_i32_0 = arith.constant 0 : i32
    return %arg0, %c0_i32 : i32, i32
  }
  func.func @transform_2(%arg0: i32) -> (i32, i32) {
    %c0_i32 = arith.constant 0 : i32
    %c0_i32_0 = arith.constant 0 : i32
    %c0_i32_1 = arith.constant 0 : i32
    return %c0_i32, %c0_i32_0 : i32, i32
  }
  func.func @transform_3(%arg0: i32) -> (i32, i32) {
    %c0_i32 = arith.constant 0 : i32
    %c0_i32_0 = arith.constant 0 : i32
    %c0_i32_1 = arith.constant 0 : i32
    return %c0_i32, %c0_i32_0 : i32, i32
  }
  func.func @transform_4(%arg0: i32) -> (i32, i32) {
    %c0_i32 = arith.constant 0 : i32
    %c0_i32_0 = arith.constant 0 : i32
    %c0_i32_1 = arith.constant 0 : i32
    return %c0_i32, %c0_i32_0 : i32, i32
  }
  func.func @transform_5(%arg0: i32) -> (i32, i32) {
    %c0_i32 = arith.constant 0 : i32
    %c0_i32_0 = arith.constant 0 : i32
    %c0_i32_1 = arith.constant 0 : i32
    return %c0_i32, %c0_i32_0 : i32, i32
  }
  func.func @transform_6(%arg0: i32) -> (i32, i32) {
    %c0_i32 = arith.constant 0 : i32
    %c0_i32_0 = arith.constant 0 : i32
    %c0_i32_1 = arith.constant 0 : i32
    return %c0_i32, %c0_i32_0 : i32, i32
  }
  func.func @transform_7(%arg0: i32) -> (i32, i32) {
    %c0_i32 = arith.constant 0 : i32
    %c0_i32_0 = arith.constant 0 : i32
    %c0_i32_1 = arith.constant 0 : i32
    return %c0_i32, %c0_i32_0 : i32, i32
  }
  func.func @transform_8(%arg0: i32) -> (i32, i32) {
    %c0_i32 = arith.constant 0 : i32
    %c0_i32_0 = arith.constant 0 : i32
    %c0_i32_1 = arith.constant 0 : i32
    return %c0_i32, %c0_i32_0 : i32, i32
  }
  func.func @transform_9(%arg0: i32) -> (i32, i32) {
    %c0_i32 = arith.constant 0 : i32
    %c0_i32_0 = arith.constant 0 : i32
    %c0_i32_1 = arith.constant 0 : i32
    return %c0_i32, %c0_i32_0 : i32, i32
  }
  func.func @transform_10(%arg0: i32) -> (i32, i32) {
    %c0_i32 = arith.constant 0 : i32
    %c0_i32_0 = arith.constant 0 : i32
    %c0_i32_1 = arith.constant 0 : i32
    return %c0_i32, %c0_i32_0 : i32, i32
  }
  func.func @transform_11(%arg0: i32) -> (i32, i32) {
    %c0_i32 = arith.constant 0 : i32
    %c0_i32_0 = arith.constant 0 : i32
    %c0_i32_1 = arith.constant 0 : i32
    return %c0_i32, %c0_i32_0 : i32, i32
  }
  func.func @transform_12(%arg0: i32) -> (i32, i32) {
    %c0_i32 = arith.constant 0 : i32
    %c0_i32_0 = arith.constant 0 : i32
    %c0_i32_1 = arith.constant 0 : i32
    return %c0_i32, %c0_i32_0 : i32, i32
  }
  func.func @transform_13(%arg0: i32) -> (i32, i32) {
    %c0_i32 = arith.constant 0 : i32
    %c0_i32_0 = arith.constant 0 : i32
    %c0_i32_1 = arith.constant 0 : i32
    return %c0_i32, %c0_i32_0 : i32, i32
  }
  func.func @transform_14(%arg0: i32) -> (i32, i32) {
    %c0_i32 = arith.constant 0 : i32
    %c0_i32_0 = arith.constant 0 : i32
    return %arg0, %c0_i32 : i32, i32
  }
}

</mosaic_0001>

<sc_bundles>
// kernel: kernel.6.cloned.1.call-start
scs
__scs_entry_jumppad:
0x0: {  	(pc) =	sbr.rel $0x88, $3  }
0x1: {  	(tag) =	ssettag $0x0;
	lr =	simm.s32 $0x1  }
0x2: {  	[smem:$0x3F90] =	sst lr;
	_ =	strace $0xD0000000  }
0x3: {  	_ = 	snop  }
0x4: {  	_ = 	snop  }
0x5: {  	_ = 	snop  }
0x6: {  	_ = 	snop  }
0x7: {  	_ = 	snop  }
__scs_overlays_trampoline_lowered:
0x8: {  	[smem:$0x3F9F] =	sst s0  }
0x9: {  	[smem:$0x3FA0] =	sst s1  }
0xa: {  	[smem:$0x3FA1] =	sst s2  }
0xb: {  	[smem:$0x3FA2] =	sst s3  }
0xc: {  	[smem:$0x3FA3] =	sst s4  }
0xd: {  	[smem:$0x3FA4] =	sst s5  }
0xe: {  	[smem:$0x3FA5] =	sst s6  }
0xf: {  	[smem:$0x3FA6] =	sst s7  }
0x10: {  	[smem:$0x3FA7] =	sst s8  }
0x11: {  	[smem:$0x3FA8] =	sst s9;
	s0 =	simm.s32 @!p0 $0x0  }
0x12: {  	s1 =	sld [smem:$0x3F8E];
	s0 =	simm.s32 @p0 $0x1  }
0x13: {  	[smem:$0x3FA9] =	sst s0;
	s0 =	simm.s32 @!p1 $0x0  }
0x14: {  	s2 =	sld [smem:$0x3F8D];
	s0 =	simm.s32 @p1 $0x1  }
0x15: {  	[smem:$0x3FAA] =	sst s0;
	s0 =	simm.s32 @!p2 $0x0  }
0x16: {  	s3 =	sld [smem:$0x3FDB];
	s0 =	simm.s32 @p2 $0x1  }
0x17: {  	s4 =	simm.s32 $0x1BF5;
	[smem:$0x3FAC] =	sst s0  }
0x18: {  	s0 =	sld [smem:$0x3F8F];
	_ =	swait.ge [sflag:s4], $0x0  }
0x19: {  	s7 =	sld [smem:$0x3F90]  }
0x1a: {  	s8 =	sadd.s32 $0xFFFFE003, lr  }
0x1b: {  	s9 =	sadd.s32 $0xFFFFFEF7, lr;
	s5 =	simm.s32 $0xFFFFFFFF;
	p2 =	slt.u32 s8, $0xFFFFF086  }
0x1c: {  	p1 =	slt.u32 s9, $0xF7A;
	s5 =	simm.s32 @!p2 $0x0  }
0x1d: {  	s5 =	simm.s32 @p1 $0x1;
	p0 =	seq.s32 s7, s2  }
0x1e: {  	s7 =	smul.u32 @!p0 $0xF7A, s2;
	p2 =	seq.s32 @!p0 s5, $0x0  }
0x1f: {  	s9 =	smul.u32 $0xF7A, s1;
	s8 =	simm.s32 @!p0 $0x1BF5;
	p2 =	por !p2, p0  }
0x20: {  	[sflag:s8] =	ssyncset.s32 @!p0 $0xFFFFF086;
	s6 =	sadd.s32 @!p0 s3, s7;
	s7 =	simm.s32 @!p0 $0x108  }
0x21: {  	s3 =	sadd.s32 s3, s9;
	s6 =	sadd.s32 @!p0 $0x88, s6;
	s7 =	simm.s32 @p2 $0x1082  }
0x22: {  	[simem:s7], [sflag:s8] =	dma.local @!p0 [hbm:s6], $0xF7A  }
0x23: {  	s9 =	sor.u32 $0xD0000000, s2;
	s6 =	simm.s32 $0x108;
	_ =	swait.ge @!p0 [sflag:s8], $0x0  }
0x24: {  	s3 =	sadd.s32 $0x88, s3;
	s6 =	simm.s32 @!p1 $0x1082;
	[sflag:s4] =	ssyncset.s32 $0xFFFFF086  }
0x25: {  	[simem:s6], [sflag:s4] =	dma.local [hbm:s3], $0xF7A  }
0x26: {  	[smem:$0x3F90] =	sst s1;
	(tag) =	ssettag s2;
	_ =	strace s9  }
0x27: {  	s1 =	sld [smem:$0x3FA0]  }
0x28: {  	s2 =	sld [smem:$0x3FA1]  }
0x29: {  	s4 =	sld [smem:$0x3FA3]  }
0x2a: {  	p0 =	seq.s32 s5, $0x0;
	s5 =	sld [smem:$0x3FA4]  }
0x2b: {  	s6 =	sld [smem:$0x3FA5]  }
0x2c: {  	s7 =	sld [smem:$0x3FA6]  }
0x2d: {  	s3 =	simm.s32 $0x108;
	s8 =	sld [smem:$0x3FA7]  }
0x2e: {  	s3 =	simm.s32 @!p0 $0x1082;
	s9 =	sld [smem:$0x3FA8]  }
0x2f: {  	lr =	sadd.s32 s0, s3;
	s0 =	sld [smem:$0x3F9F]  }
0x30: {  	s3 =	sld [smem:$0x3FA2]  }
0x31: {  	[smem:$0x3FAB] =	sst s10  }
0x32: {  	s10 =	sld [smem:$0x3FA9];
	_ =	sdelay $0x3  }
0x33: {  	p0 =	seq.s32 s10, $0x1;
	s10 =	sld [smem:$0x3FAB];
	_ =	sdelay $0x3  }
0x34: {  	[smem:$0x3FAB] =	sst s10  }
0x35: {  	s10 =	sld [smem:$0x3FAA];
	_ =	sdelay $0x3  }
0x36: {  	p1 =	seq.s32 s10, $0x1;
	s10 =	sld [smem:$0x3FAB];
	_ =	sdelay $0x3  }
0x37: {  	[smem:$0x3FAB] =	sst s10  }
0x38: {  	s10 =	sld [smem:$0x3FAC]  }
0x39: {  	_ = 	snop;
	(pc) =	sbr.ind lr, $3  }
0x3a: {  	_ = 	snop  }
0x3b: {  	_ = 	snop  }
0x3c: {  	p2 =	seq.s32 s10, $0x1;
	s10 =	sld [smem:$0x3FAB]  }
0x3d: {  	_ =	shalt  }
0x3e: {  	_ =	shalt  }
0x3f: {  	_ =	shalt  }
0x40: {  	_ =	shalt  }
0x41: {  	_ =	shalt  }
0x42: {  	_ =	shalt  }
0x43: {  	_ =	shalt  }
0x44: {  	_ =	shalt  }
0x45: {  	_ =	shalt  }
0x46: {  	_ =	shalt  }
0x47: {  	_ =	shalt  }
0x48: {  	_ =	shalt  }
0x49: {  	_ =	shalt  }
0x4a: {  	_ =	shalt  }
0x4b: {  	_ =	shalt  }
0x4c: {  	_ =	shalt  }
0x4d: {  	_ =	shalt  }
0x4e: {  	_ =	shalt  }
0x4f: {  	_ =	shalt  }
0x50: {  	_ =	shalt  }
0x51: {  	_ =	shalt  }
0x52: {  	_ =	shalt  }
0x53: {  	_ =	shalt  }
0x54: {  	_ =	shalt  }
0x55: {  	_ =	shalt  }
0x56: {  	_ =	shalt  }
0x57: {  	_ =	shalt  }
0x58: {  	_ =	shalt  }
0x59: {  	_ =	shalt  }
0x5a: {  	_ =	shalt  }
0x5b: {  	_ =	shalt  }
0x5c: {  	_ =	shalt  }
0x5d: {  	_ =	shalt  }
0x5e: {  	_ =	shalt  }
0x5f: {  	_ =	shalt  }
0x60: {  	_ =	shalt  }
0x61: {  	_ =	shalt  }
0x62: {  	_ =	shalt  }
0x63: {  	_ =	shalt  }
0x64: {  	_ =	shalt  }
0x65: {  	_ =	shalt  }
0x66: {  	_ =	shalt  }
0x67: {  	_ =	shalt  }
0x68: {  	_ =	shalt  }
0x69: {  	_ =	shalt  }
0x6a: {  	_ =	shalt  }
0x6b: {  	_ =	shalt  }
0x6c: {  	_ =	shalt  }
0x6d: {  	_ =	shalt  }
0x6e: {  	_ =	shalt  }
0x6f: {  	_ =	shalt  }
0x70: {  	_ =	shalt  }
0x71: {  	_ =	shalt  }
0x72: {  	_ =	shalt  }
0x73: {  	_ =	shalt  }
0x74: {  	_ =	shalt  }
0x75: {  	_ =	shalt  }
0x76: {  	_ =	shalt  }
0x77: {  	_ =	shalt  }
0x78: {  	_ =	shalt  }
0x79: {  	_ =	shalt  }
0x7a: {  	_ =	shalt  }
0x7b: {  	_ =	shalt  }
0x7c: {  	_ =	shalt  }
0x7d: {  	_ =	shalt  }
0x7e: {  	_ =	shalt  }
0x7f: {  	_ =	shalt  }
0x80: {  	_ =	shalt  }
0x81: {  	_ =	shalt  }
0x82: {  	_ =	shalt  }
0x83: {  	_ =	shalt  }
0x84: {  	_ =	shalt  }
0x85: {  	_ =	shalt  }
0x86: {  	_ =	shalt  }
0x87: {  	_ =	shalt  }
.Lfunc_end0:
.L_simem_size_0:
called_computation_lowered:
.L_overlay_start_0:
0x88: {  	s2 =	sld [smem:$0x3FD9]  }
0x89: {  	s3 =	sld [smem:$0x3FFE];
	_ =	sdelay $0x1  }
0x8a: {  	s1 =	srdreg.scid  }
0x8b: {  	s0 =	sand.u32 $0x1, s1  }
0x8c: {  	s17 =	sshll.u32 s0, $0xA;
	s2 =	sadd.s32 s3, s2  }
0x8d: {  	s2 =	sadd.s32 s2, s17  }
0x8e: {  	[smem:$0x3FB7] =	sst s2  }
0x8f: {  	_ = 	snop  }
0x90: {  	s2 =	sld [smem:$0x3FD0];
	(tm) =	ssettm $0x1  }
0x91: {  	s18 =	sld [smem:$0x3FFB];
	_ =	sdelay $0x3  }
0x92: {  	_ =	strace s18  }
0x93: {  	s3 =	sld [smem:$0x3FFC];
	_ =	sdelay $0x3  }
0x94: {  	_ =	strace s3  }
0x95: {  	s3 =	sld [smem:$0x3FFD];
	_ =	sdelay $0x3  }
0x96: {  	_ =	strace s3  }
0x97: {  	_ =	strace $0x8FFFFFFF  }
0x98: {  	s19 =	sld [smem:$0x3FDB];
	_ =	sdelay $0x1  }
0x99: {  	s4 =	simm.s32 $_scs_section_size  }
0x9a: {  	s5 =	simm.s32 $_size__tile_overlayer_lowered;
	s6 =	simm.s32 $_tile_overlayer_lowered  }
0x9b: {  	s22 =	simm.s32 $0x1BFF;
	s21 =	sshll.u32 s6, $0x1;
	s3 =	sadd.s32 s4, s19  }
0x9c: {  	s7 =	simm.s32 $0x0;
	s20 =	sshll.u32 s5, $0x1;
	s5 =	sadd.s32 s21, s3  }
0x9d: {  	[timem:s7], [sflag:s22] =	dma.local [hbm:s5], s20  }
0x9e: {  	_ =	swait.ge [sflag:s22], s20  }
0x9f: {  	s4 =	ssub.s32 $0x0, s20;
	[sflag:s22] =	ssyncset.done $0x0  }
0xa0: {  	[sflag:s22] =	ssyncadd.s32 s4;
	_ =	sdelay $0x1  }
0xa1: {  	s23 =	simm.s32 $0x1B8B  }
0xa2: {  	_ =	swait.ge [sflag:s23], $0x1  }
0xa3: {  	[sflag:s23] =	ssyncset.done $0x0  }
0xa4: {  	s25 =	simm.s32 $0x1B8E;
	s24 =	sld [smem:$0x3FFE];
	[sflag:s23] =	ssyncadd.s32 $0xFFFFFFFF  }
0xa5: {  	s26 =	simm.s32 $execute0_lowered;
	[smem:$0x3FD2] =	sst s25  }
0xa6: {  	s5 =	sshll.u32 s26, $0x1;
	_ =	strace $0x80000046;
	[dreg:$0x1] =	wrdreg $0xFFFFFFFF  }
0xa7: {  	s28 =	simm.s32 $_size_execute0_lowered;
	s3 =	sadd.s32 s3, s5;
	[dreg:$0x0] =	wrdreg $0x0  }
0xa8: {  	s5 =	sshll.u32 s28, $0x1;
	[dreg:$0x2] =	wrdreg s3  }
0xa9: {  	[dreg:$0x3] =	wrdreg s5  }
0xaa: {  	[dreg:$0x4] =	wrdreg $0xC0  }
0xab: {  	_ =	task [dreg:s7], $0x5FFFF  }
0xac: {  	[dreg:$0x1] =	wrdreg $0xFFFFFFFF  }
0xad: {  	[dreg:$0x0] =	wrdreg $0x60  }
0xae: {  	[dreg:$0x2] =	wrdreg s24  }
0xaf: {  	[dreg:$0x3] =	wrdreg s2  }
0xb0: {  	[dreg:$0x4] =	wrdreg $0x9  }
0xb1: {  	_ =	task.clear_ibuf [dreg:s7], $0x5FFFF;
	_ =	strace $0x90000046  }
0xb2: {  	s29 =	simm.s32 $0x9;
	_ =	strace $0x80000048  }
0xb3: {  	_ =	swait.ge [sflag:s29], $0x1  }
0xb4: {  	[sflag:s29] =	ssyncadd.s32 $0xFFFFFFFF  }
0xb5: {  	_ =	strace $0x90000048  }
0xb6: {  	_ =	sfence  }
0xb7: {  	s30 =	sld [smem:$0x0];
	_ =	sdelay $0x2  }
0xb8: {  	s31 =	sshll.u32 s1, $0xD;
	s1 =	sshrl.u32 s1, $0x2  }
0xb9: {  	s3 =	sand.u32 $0x4000, s31;
	s1 =	sadd.s32 s1, s30  }
0xba: {  	s0 =	sor.u32 s3, s0;
	s1 =	sshll.u32 s1, $0x11  }
0xbb: {  	s0 =	sor.u32 s1, s0  }
0xbc: {  	s0 =	sadd.s32 $0x8F2B, s0  }
0xbd: {  	[sflag:s0] =	ssyncadd.remote.s32 $0x1  }
0xbe: {  	_ =	sfence.sel $0xFFFF  }
0xbf: {  	[dreg:$0x0] =	wrdreg $0xFFFFFFFF;
	(pc) =	sbr.abs _section_cstart, $3  }
0xc0: {  	[dreg:$0x1] =	wrdreg $0xFFFFFFFF  }
0xc1: {  	_ =	task.clear_ibuf [dreg:s7], $0x2FFFF;
	_ =	strace $0x9FFFFFFF  }
0xc2: {  	(tm) =	ssettm $0x7FFFFFFF  }
0xc3: {  	_ =	shalt  }
tec
execute0_lowered:
.L_overlay_start_1:
0x0: {  	(tag) =	ssettag $0x1  }
0x1: {  	s0 =	rddreg [dreg:$0x0]  }
0x2: {  	s1 =	srdreg.scid;
	s2 =	stileid.u32  }
0x3: {  	s6 =	rddreg [dreg:$0x1];
	s12 =	simm.s32 $0x7;
	s13 =	simm.s32 $0x1400  }
0x4: {  	s14 =	simm.s32 $0x80;
	s15 =	simm.s32 $0x2800;
	s16 =	simm.s32 $0xA800  }
0x5: {  	s17 =	simm.s32 $0x6800;
	s19 =	simm.s32 $0xE800;
	s20 =	simm.s32 $0x1  }
0x6: {  	s21 =	simm.s32 $0x3;
	s22 =	simm.s32 $0x12800;
	s23 =	simm.s32 $0x2  }
0x7: {  	s24 =	simm.s32 $0x4;
	s25 =	simm.s32 $0x16800;
	s26 =	simm.s32 $0x5  }
0x8: {  	s28 =	simm.s32 $0x6;
	s1 =	sand.u32 $0x1, s1;
	s3 =	sshll.u32 s2, $0x1  }
0x9: {  	s29 =	simm.s32 $0x8;
	s2 =	simm.s32 $0x0;
	s3 =	sor.u32 s1, s3  }
0xa: {  	s4 =	sadd.s32 $0x8000, s0;
	s1 =	ssub.s32 $0x2, s1;
	s8 =	smul.u32 $0x1388, s3  }
0xb: {  	[smem:$0x7FF] =	sst s2;
	s3 =	smul.u32 $0x9C400, s3;
	s10 =	sshrl.u32 s1, $0x1  }
0xc: {  	s5 =	sadd.s32 $0x2F200, s0;
	_ =	strace $0x80000047;
	s30 =	ssub.s32 s1, s10  }
0xd: {  	s7 =	sshrl.u32 s8, $0x3;
	s31 =	sshrl.u32 s3, $0x3;
	s8 =	sadd.s32 $0x80, s8  }
0xe: {  	s11 =	smax.u32 s30, $0x1;
	s9 =	sadd.s32 s7, s0;
	s1 =	sadd.s32 s5, s31  }
0xf: {  	s7 =	sadd.s32 s6, s7;
	s9 =	sadd.s32 $0x3000, s9;
	s10 =	sadd.s32 $0x13800, s1  }
0x10: {  	[dreg:$0x3] =	wrdreg s9;
	s9 =	sadd.s32 $0x13000, s1;
	s1 =	simm.s32 $0x0  }
.LBB2_1:
0x11: {  	s0 =	rddreg [dreg:$0x3]  }
0x12: {  	[tilespmem:s2], [sflag:$0x7] =	stream.linear.gather [hbm4b:s0+s2], $0x1388, $0x38;
	[tilespmem:$0x1A800] =	vst v63  }
0x13: {  	_ =	swait.ge [sflag:s12], $0x1388  }
0x14: {  	[sflag:s12] =	ssyncset.done $0x0  }
0x15: {  	[sflag:s12] =	ssyncadd.s32 $0xFFFFEC78  }
0x16: {  	[tilespmem:s13], [sflag:$0x7] =	stream.linear.gather [hbm4b:s7+s2], $0x1388, $0x38;
	[tilespmem:$0x1A800] =	vst v63  }
0x17: {  	_ =	swait.ge [sflag:s12], $0x1388  }
0x18: {  	[sflag:s12] =	ssyncset.done $0x0  }
0x19: {  	[sflag:s12] =	ssyncadd.s32 $0xFFFFEC78  }
0x1a: {  	[tilespmem:s15], [sflag:$0x1] =	stream.indirect.gather [hbm4b:s4+s14], $0x80, s2, s14, $0xb8;
	[tilespmem:$0x1A800] =	vst v63  }
0x1b: {  	_ = 	snop  }
0x1c: {  	[tilespmem:s16], [sflag:$0x3] =	stream.indirect.gather [hbm4b:s4+s14], $0x80, s13, s14, $0xb8;
	[tilespmem:$0x1A800] =	vst v63  }
0x1d: {  	_ = 	snop  }
0x1e: {  	[tilespmem:s17], [sflag:$0x2] =	stream.indirect.gather [hbm4b:s4+s14], $0x80, s14, s14, $0xb8;
	[tilespmem:$0x1A800] =	vst v63  }
0x1f: {  	s31 =	simm.s32 $0x1480;
	s0 =	simm.s32 $0x0  }
0x20: {  	[tilespmem:s19], [sflag:$0x4] =	stream.indirect.gather [hbm4b:s4+s14], $0x80, s31, s14, $0xb8;
	[tilespmem:$0x1A800] =	vst v63  }
.LBB2_2:
0x21: {  	_ =	swait.ge [sflag:s20], $0x4000  }
0x22: {  	[sflag:s20] =	ssyncset.done $0x0  }
0x23: {  	[sflag:s20] =	ssyncadd.s32 $0xFFFFC000  }
0x24: {  	_ =	swait.ge [sflag:s21], $0x4000  }
0x25: {  	p0 =	seq.s32 s0, $0x0;
	[sflag:s21] =	ssyncset.done $0x0  }
0x26: {  	s6 =	simm.s32 @!p0 $0x5;
	[sflag:s21] =	ssyncadd.s32 $0xFFFFC000  }
0x27: {  	_ =	swait.ge @!p0 [sflag:s6], $0x4000  }
0x28: {  	[sflag:s6] =	ssyncset.done @!p0 $0x0  }
0x29: {  	s31 =	simm.s32 $0x0;
	[sflag:s6] =	ssyncadd.s32 @!p0 $0xFFFFC000  }
0x2a: {  	v2 =	vld [tilespmem:s31+$0x2830]  }
0x2b: {  	v4 =	vld [tilespmem:s31+$0xA870]  }
0x2c: {  	v5 =	vld [tilespmem:s31+$0x2800]  }
0x2d: {  	v6 =	vld [tilespmem:s31+$0xA840]  }
0x2e: {  	v1 =	vld [tilespmem:s31+$0x2810]  }
0x2f: {  	v3 =	vld [tilespmem:s31+$0xA850]  }
0x30: {  	v0 =	vld [tilespmem:s31+$0x2820];
	v7 =	vadd.f32 v4, v2  }
0x31: {  	s30 =	simm.s32 $0x80;
	v4 =	vld [tilespmem:s31+$0xA860]  }
0x32: {  	s18 =	sshll.u32 s0, $0x8;
	s6 =	simm.s32 $0x400;
	v2 =	vld [tilespmem:s30+$0x2830];
	v5 =	vadd.f32 v6, v5;
	[tilespmem:s31+$0x12830] =	vst v7  }
.LBB2_3:
0x33: {  	p1 =	sne.s32 s6, $0xFE00;
	v6 =	vld [tilespmem:s30+$0xA870]  }
0x34: {  	v7 =	vld [tilespmem:s30+$0x2800];
	[tilespmem:s31+$0x12800] =	vst v5;
	v3 =	vadd.f32 v3, v1  }
0x35: {  	v5 =	vld [tilespmem:s30+$0xA840]  }
.Ltmp0:
0x36: {  	v1 =	vld [tilespmem:s30+$0x2810];
	[tilespmem:s31+$0x12810] =	vst v3;
	v4 =	vadd.f32 v4, v0;
	(pc) =	sbr.rel @p1 .LBB2_3-.Ltmp0, $4  }
0x37: {  	v3 =	vld [tilespmem:s30+$0xA850]  }
0x38: {  	v0 =	vld [tilespmem:s30+$0x2820];
	v6 =	vadd.f32 v6, v2;
	[tilespmem:s31+$0x12820] =	vst v4;
	s31 =	smov.u32 s30  }
0x39: {  	s30 =	sshra.s32 s6, $0x2;
	v4 =	vld [tilespmem:s31+$0xA860]  }
0x3a: {  	s6 =	sadd.s32 $0x200, s6;
	v2 =	vld [tilespmem:s30+$0x2830];
	v5 =	vadd.f32 v5, v7;
	[tilespmem:s31+$0x12830] =	vst v6  }
0x3b: {  	v6 =	vld [tilespmem:s30+$0xA870]  }
0x3c: {  	v7 =	vld [tilespmem:s30+$0x2800];
	[tilespmem:s31+$0x12800] =	vst v5;
	v1 =	vadd.f32 v3, v1  }
0x3d: {  	v3 =	vld [tilespmem:s30+$0xA840]  }
0x3e: {  	v5 =	vld [tilespmem:s30+$0x2810];
	[tilespmem:s31+$0x12810] =	vst v1;
	v0 =	vadd.f32 v4, v0  }
0x3f: {  	v1 =	vld [tilespmem:s30+$0xA850]  }
0x40: {  	v4 =	vld [tilespmem:s30+$0x2820];
	[tilespmem:s31+$0x12820] =	vst v0  }
0x41: {  	v0 =	vld [tilespmem:s30+$0xA860];
	_ =	sdelay $0x1  }
0x42: {  	v2 =	vadd.f32 v6, v2  }
0x43: {  	v3 =	vadd.f32 v3, v7  }
0x44: {  	s6 =	sshll.u32 s0, $0xF;
	[tilespmem:s30+$0x12830] =	vst v2;
	v1 =	vadd.f32 v1, v5  }
0x45: {  	s6 =	sadd.s32 s3, s6;
	[tilespmem:s30+$0x12800] =	vst v3;
	v0 =	vadd.f32 v0, v4  }
0x46: {  	s6 =	sshrl.u32 s6, $0x3;
	[tilespmem:s30+$0x12810] =	vst v1  }
0x47: {  	s6 =	sadd.s32 s5, s6;
	[tilespmem:s30+$0x12820] =	vst v0  }
0x48: {  	[hbm4b:s6+s2] =	stream.linear.scatter [tilespmem:s22], [sflag:$0x5], $0x4000, $0x38;
	[tilespmem:$0x1A800] =	vst v63  }
0x49: {  	s6 =	sadd.s32 $0x100, s18  }
0x4a: {  	[tilespmem:s15], [sflag:$0x1] =	stream.indirect.gather [hbm4b:s4+s14], $0x80, s6, s14, $0xb8;
	[tilespmem:$0x1A800] =	vst v63  }
0x4b: {  	s6 =	sadd.s32 $0x1500, s18  }
0x4c: {  	[tilespmem:s16], [sflag:$0x3] =	stream.indirect.gather [hbm4b:s4+s14], $0x80, s6, s14, $0xb8;
	[tilespmem:$0x1A800] =	vst v63  }
0x4d: {  	_ =	swait.ge [sflag:s23], $0x4000  }
0x4e: {  	[sflag:s23] =	ssyncset.done $0x0  }
0x4f: {  	[sflag:s23] =	ssyncadd.s32 $0xFFFFC000  }
0x50: {  	_ =	swait.ge [sflag:s24], $0x4000  }
0x51: {  	[sflag:s24] =	ssyncset.done $0x0  }
0x52: {  	s6 =	simm.s32 @!p0 $0x6;
	[sflag:s24] =	ssyncadd.s32 $0xFFFFC000  }
0x53: {  	_ =	swait.ge @!p0 [sflag:s6], $0x4000  }
0x54: {  	[sflag:s6] =	ssyncset.done @!p0 $0x0  }
0x55: {  	s31 =	simm.s32 $0x0;
	[sflag:s6] =	ssyncadd.s32 @!p0 $0xFFFFC000  }
0x56: {  	v2 =	vld [tilespmem:s31+$0x6830]  }
0x57: {  	v4 =	vld [tilespmem:s31+$0xE870]  }
0x58: {  	v5 =	vld [tilespmem:s31+$0x6800]  }
0x59: {  	v6 =	vld [tilespmem:s31+$0xE840]  }
0x5a: {  	v1 =	vld [tilespmem:s31+$0x6810]  }
0x5b: {  	v3 =	vld [tilespmem:s31+$0xE850]  }
0x5c: {  	v0 =	vld [tilespmem:s31+$0x6820];
	v7 =	vadd.f32 v4, v2  }
0x5d: {  	s30 =	simm.s32 $0x80;
	v4 =	vld [tilespmem:s31+$0xE860]  }
0x5e: {  	s6 =	simm.s32 $0x400;
	v2 =	vld [tilespmem:s30+$0x6830];
	v5 =	vadd.f32 v6, v5;
	[tilespmem:s31+$0x16830] =	vst v7  }
.LBB2_5:
0x5f: {  	p0 =	sne.s32 s6, $0xFE00;
	v6 =	vld [tilespmem:s30+$0xE870]  }
0x60: {  	v7 =	vld [tilespmem:s30+$0x6800];
	[tilespmem:s31+$0x16800] =	vst v5;
	v3 =	vadd.f32 v3, v1  }
0x61: {  	v5 =	vld [tilespmem:s30+$0xE840]  }
.Ltmp1:
0x62: {  	v1 =	vld [tilespmem:s30+$0x6810];
	[tilespmem:s31+$0x16810] =	vst v3;
	v4 =	vadd.f32 v4, v0;
	(pc) =	sbr.rel @p0 .LBB2_5-.Ltmp1, $4  }
0x63: {  	v3 =	vld [tilespmem:s30+$0xE850]  }
0x64: {  	v0 =	vld [tilespmem:s30+$0x6820];
	v6 =	vadd.f32 v6, v2;
	[tilespmem:s31+$0x16820] =	vst v4;
	s31 =	smov.u32 s30  }
0x65: {  	s30 =	sshra.s32 s6, $0x2;
	v4 =	vld [tilespmem:s31+$0xE860]  }
0x66: {  	s6 =	sadd.s32 $0x200, s6;
	v2 =	vld [tilespmem:s30+$0x6830];
	v5 =	vadd.f32 v5, v7;
	[tilespmem:s31+$0x16830] =	vst v6  }
0x67: {  	v6 =	vld [tilespmem:s30+$0xE870]  }
0x68: {  	v7 =	vld [tilespmem:s30+$0x6800];
	[tilespmem:s31+$0x16800] =	vst v5;
	v1 =	vadd.f32 v3, v1  }
0x69: {  	v62 =	vld [tilespmem:s30+$0xE840]  }
0x6a: {  	v5 =	vld [tilespmem:s30+$0x6810];
	[tilespmem:s31+$0x16810] =	vst v1;
	v0 =	vadd.f32 v4, v0  }
0x6b: {  	v1 =	vld [tilespmem:s30+$0xE850]  }
0x6c: {  	v63 =	vld [tilespmem:s30+$0x6820];
	[tilespmem:s31+$0x16820] =	vst v0  }
0x6d: {  	v0 =	vld [tilespmem:s30+$0xE860];
	_ =	sdelay $0x1  }
0x6e: {  	v2 =	vadd.f32 v6, v2  }
0x6f: {  	p0 =	seq.s32 s0, $0x12;
	v3 =	vadd.f32 v62, v7  }
.Ltmp2:
0x70: {  	[tilespmem:s30+$0x16830] =	vst v2;
	v1 =	vadd.f32 v1, v5;
	(pc) =	sbr.rel @p0 .LBB2_8-.Ltmp2, $4  }
0x71: {  	s6 =	sadd.s32 s18, s8;
	[tilespmem:s30+$0x16800] =	vst v3;
	v0 =	vadd.f32 v0, v63  }
0x72: {  	s6 =	sshll.u32 s6, $0x4;
	[tilespmem:s30+$0x16810] =	vst v1  }
0x73: {  	s6 =	sadd.s32 s5, s6;
	[tilespmem:s30+$0x16820] =	vst v0  }
0x74: {  	[hbm4b:s6+s2] =	stream.linear.scatter [tilespmem:s25], [sflag:$0x6], $0x4000, $0x38;
	[tilespmem:$0x1A800] =	vst v63  }
.Ltmp3:
0x75: {  	(pc) =	sbr.rel .LBB2_2-.Ltmp3, $4  }
0x76: {  	s6 =	sadd.s32 $0x180, s18  }
0x77: {  	[tilespmem:s17], [sflag:$0x2] =	stream.indirect.gather [hbm4b:s4+s14], $0x80, s6, s14, $0xb8;
	[tilespmem:$0x1A800] =	vst v63  }
0x78: {  	s31 =	sadd.s32 $0x1580, s18;
	s0 =	sadd.s32 $0x1, s0  }
0x79: {  	[tilespmem:s19], [sflag:$0x4] =	stream.indirect.gather [hbm4b:s4+s14], $0x80, s31, s14, $0xb8;
	[tilespmem:$0x1A800] =	vst v63  }
.LBB2_8:
0x7a: {  	_ =	swait.ge [sflag:s20], $0x4000  }
0x7b: {  	[sflag:s20] =	ssyncset.done $0x0  }
0x7c: {  	[sflag:s20] =	ssyncadd.s32 $0xFFFFC000  }
0x7d: {  	_ =	swait.ge [sflag:s21], $0x4000  }
0x7e: {  	[sflag:s21] =	ssyncset.done $0x0  }
0x7f: {  	[sflag:s21] =	ssyncadd.s32 $0xFFFFC000  }
0x80: {  	_ =	swait.ge [sflag:s26], $0x4000  }
0x81: {  	[sflag:s26] =	ssyncset.done $0x0  }
0x82: {  	s0 =	simm.s32 $0x0;
	[sflag:s26] =	ssyncadd.s32 $0xFFFFC000  }
0x83: {  	v2 =	vld [tilespmem:s0+$0x2830]  }
0x84: {  	v4 =	vld [tilespmem:s0+$0xA870]  }
0x85: {  	v5 =	vld [tilespmem:s0+$0x2800]  }
0x86: {  	v6 =	vld [tilespmem:s0+$0xA840]  }
0x87: {  	v1 =	vld [tilespmem:s0+$0x2810]  }
0x88: {  	v3 =	vld [tilespmem:s0+$0xA850]  }
0x89: {  	v0 =	vld [tilespmem:s0+$0x2820];
	v7 =	vadd.f32 v4, v2  }
0x8a: {  	s18 =	simm.s32 $0x80;
	v4 =	vld [tilespmem:s0+$0xA860]  }
0x8b: {  	s6 =	simm.s32 $0x400;
	v2 =	vld [tilespmem:s18+$0x2830];
	v5 =	vadd.f32 v6, v5;
	[tilespmem:s0+$0x12830] =	vst v7  }
.LBB2_9:
0x8c: {  	p0 =	sne.s32 s6, $0xFE00;
	v6 =	vld [tilespmem:s18+$0xA870]  }
0x8d: {  	v7 =	vld [tilespmem:s18+$0x2800];
	[tilespmem:s0+$0x12800] =	vst v5;
	v3 =	vadd.f32 v3, v1  }
0x8e: {  	v5 =	vld [tilespmem:s18+$0xA840]  }
.Ltmp4:
0x8f: {  	v1 =	vld [tilespmem:s18+$0x2810];
	[tilespmem:s0+$0x12810] =	vst v3;
	v4 =	vadd.f32 v4, v0;
	(pc) =	sbr.rel @p0 .LBB2_9-.Ltmp4, $4  }
0x90: {  	v3 =	vld [tilespmem:s18+$0xA850]  }
0x91: {  	v0 =	vld [tilespmem:s18+$0x2820];
	v6 =	vadd.f32 v6, v2;
	[tilespmem:s0+$0x12820] =	vst v4;
	s0 =	smov.u32 s18  }
0x92: {  	s18 =	sshra.s32 s6, $0x2;
	v4 =	vld [tilespmem:s0+$0xA860]  }
0x93: {  	s6 =	sadd.s32 $0x200, s6;
	v2 =	vld [tilespmem:s18+$0x2830];
	v5 =	vadd.f32 v5, v7;
	[tilespmem:s0+$0x12830] =	vst v6  }
0x94: {  	v6 =	vld [tilespmem:s18+$0xA870]  }
0x95: {  	v7 =	vld [tilespmem:s18+$0x2800];
	[tilespmem:s0+$0x12800] =	vst v5;
	v1 =	vadd.f32 v3, v1  }
0x96: {  	v60 =	vld [tilespmem:s18+$0xA840]  }
0x97: {  	v5 =	vld [tilespmem:s18+$0x2810];
	[tilespmem:s0+$0x12810] =	vst v1;
	v0 =	vadd.f32 v4, v0  }
0x98: {  	v1 =	vld [tilespmem:s18+$0xA850]  }
0x99: {  	v61 =	vld [tilespmem:s18+$0x2820];
	[tilespmem:s0+$0x12820] =	vst v0  }
0x9a: {  	v0 =	vld [tilespmem:s18+$0xA860];
	_ =	sdelay $0x1  }
0x9b: {  	v2 =	vadd.f32 v6, v2  }
0x9c: {  	v3 =	vadd.f32 v60, v7  }
0x9d: {  	[tilespmem:s18+$0x12830] =	vst v2;
	v1 =	vadd.f32 v1, v5  }
0x9e: {  	[tilespmem:s18+$0x12800] =	vst v3;
	v0 =	vadd.f32 v0, v61  }
0x9f: {  	[tilespmem:s18+$0x12810] =	vst v1  }
0xa0: {  	[tilespmem:s18+$0x12820] =	vst v0  }
0xa1: {  	[hbm4b:s9+s2] =	stream.linear.scatter [tilespmem:s22], [sflag:$0x5], $0x4000, $0x38;
	[tilespmem:$0x1A800] =	vst v63  }
0xa2: {  	_ =	swait.ge [sflag:s28], $0x4000  }
0xa3: {  	[sflag:s28] =	ssyncset.done $0x0  }
0xa4: {  	s30 =	simm.s32 $0x1380;
	[sflag:s28] =	ssyncadd.s32 $0xFFFFC000  }
0xa5: {  	[tilespmem:s17], [sflag:$0x2] =	stream.indirect.gather [hbm4b:s4+s29], $0x80, s30, s29, $0xb8;
	[tilespmem:$0x1A800] =	vst v63  }
0xa6: {  	s31 =	simm.s32 $0x2780  }
0xa7: {  	[tilespmem:s19], [sflag:$0x4] =	stream.indirect.gather [hbm4b:s4+s29], $0x80, s31, s29, $0xb8;
	[tilespmem:$0x1A800] =	vst v63  }
0xa8: {  	_ =	swait.ge [sflag:s23], $0x400  }
0xa9: {  	[sflag:s23] =	ssyncset.done $0x0  }
0xaa: {  	[sflag:s23] =	ssyncadd.s32 $0xFFFFFC00  }
0xab: {  	_ =	swait.ge [sflag:s24], $0x400  }
0xac: {  	[sflag:s24] =	ssyncset.done $0x0  }
0xad: {  	[sflag:s24] =	ssyncadd.s32 $0xFFFFFC00  }
0xae: {  	v62 =	vld [tilespmem:$0x6800]  }
0xaf: {  	v63 =	vld [tilespmem:$0xE840]  }
0xb0: {  	v40 =	vld [tilespmem:$0x6810]  }
0xb1: {  	v41 =	vld [tilespmem:$0xE850]  }
0xb2: {  	v42 =	vld [tilespmem:$0x6820]  }
0xb3: {  	v43 =	vld [tilespmem:$0xE860]  }
0xb4: {  	v44 =	vld [tilespmem:$0x6830]  }
0xb5: {  	v45 =	vld [tilespmem:$0xE870]  }
0xb6: {  	v8 =	vld [tilespmem:$0x6880]  }
0xb7: {  	v9 =	vld [tilespmem:$0xE8C0]  }
0xb8: {  	v10 =	vld [tilespmem:$0x6890]  }
0xb9: {  	v11 =	vld [tilespmem:$0xE8D0]  }
0xba: {  	v12 =	vld [tilespmem:$0x68A0]  }
0xbb: {  	v13 =	vld [tilespmem:$0xE8E0]  }
0xbc: {  	v14 =	vld [tilespmem:$0x68B0]  }
0xbd: {  	v15 =	vld [tilespmem:$0xE8F0]  }
0xbe: {  	v16 =	vld [tilespmem:$0x6900]  }
0xbf: {  	v17 =	vld [tilespmem:$0xE940]  }
0xc0: {  	v18 =	vld [tilespmem:$0x6910]  }
0xc1: {  	v19 =	vld [tilespmem:$0xE950]  }
0xc2: {  	v20 =	vld [tilespmem:$0x6920]  }
0xc3: {  	v21 =	vld [tilespmem:$0xE960]  }
0xc4: {  	v22 =	vld [tilespmem:$0x6930]  }
0xc5: {  	v23 =	vld [tilespmem:$0xE970]  }
0xc6: {  	v24 =	vld [tilespmem:$0x6980]  }
0xc7: {  	v25 =	vld [tilespmem:$0xE9C0]  }
0xc8: {  	v26 =	vld [tilespmem:$0x6990]  }
0xc9: {  	v27 =	vld [tilespmem:$0xE9D0]  }
0xca: {  	v28 =	vld [tilespmem:$0x69A0]  }
0xcb: {  	v29 =	vld [tilespmem:$0xE9E0]  }
0xcc: {  	v30 =	vld [tilespmem:$0x69B0]  }
0xcd: {  	v31 =	vld [tilespmem:$0xE9F0]  }
0xce: {  	v32 =	vld [tilespmem:$0x6A00]  }
0xcf: {  	v33 =	vld [tilespmem:$0xEA40]  }
0xd0: {  	v34 =	vld [tilespmem:$0x6A10]  }
0xd1: {  	v35 =	vld [tilespmem:$0xEA50]  }
0xd2: {  	v36 =	vld [tilespmem:$0x6A20]  }
0xd3: {  	v46 =	vld [tilespmem:$0xEA60];
	v0 =	vadd.f32 v63, v62  }
0xd4: {  	v47 =	vld [tilespmem:$0x6A30];
	v2 =	vadd.f32 v41, v40  }
0xd5: {  	v49 =	vld [tilespmem:$0xEA70];
	v48 =	vadd.f32 v43, v42;
	[tilespmem:$0x16800] =	vst v0  }
0xd6: {  	v51 =	vld [tilespmem:$0x6A80];
	v50 =	vadd.f32 v45, v44;
	[tilespmem:$0x16810] =	vst v2  }
0xd7: {  	v53 =	vld [tilespmem:$0xEAC0];
	v52 =	vadd.f32 v9, v8;
	[tilespmem:$0x16820] =	vst v48  }
0xd8: {  	v55 =	vld [tilespmem:$0x6A90];
	v54 =	vadd.f32 v11, v10;
	[tilespmem:$0x16830] =	vst v50  }
0xd9: {  	v57 =	vld [tilespmem:$0xEAD0];
	v56 =	vadd.f32 v13, v12;
	[tilespmem:$0x16880] =	vst v52  }
0xda: {  	v59 =	vld [tilespmem:$0x6AA0];
	v58 =	vadd.f32 v15, v14;
	[tilespmem:$0x16890] =	vst v54  }
0xdb: {  	v61 =	vld [tilespmem:$0xEAE0];
	v60 =	vadd.f32 v17, v16;
	[tilespmem:$0x168A0] =	vst v56  }
0xdc: {  	v37 =	vld [tilespmem:$0x6B20];
	v62 =	vadd.f32 v19, v18;
	[tilespmem:$0x168B0] =	vst v58  }
0xdd: {  	v39 =	vld [tilespmem:$0xEB60];
	v20 =	vadd.f32 v21, v20;
	[tilespmem:$0x16900] =	vst v60  }
0xde: {  	v63 =	vld [tilespmem:$0x6AB0];
	v22 =	vadd.f32 v23, v22;
	[tilespmem:$0x16910] =	vst v62  }
0xdf: {  	v21 =	vld [tilespmem:$0xEAF0];
	v24 =	vadd.f32 v25, v24;
	[tilespmem:$0x16920] =	vst v20  }
0xe0: {  	v23 =	vld [tilespmem:$0x6B00];
	v26 =	vadd.f32 v27, v26;
	[tilespmem:$0x16930] =	vst v22  }
0xe1: {  	v25 =	vld [tilespmem:$0xEB40];
	v28 =	vadd.f32 v29, v28;
	[tilespmem:$0x16980] =	vst v24  }
0xe2: {  	v27 =	vld [tilespmem:$0x6B10];
	v31 =	vadd.f32 v31, v30;
	[tilespmem:$0x16990] =	vst v26  }
0xe3: {  	v29 =	vld [tilespmem:$0xEB50];
	v38 =	vadd.f32 v33, v32;
	[tilespmem:$0x169A0] =	vst v28  }
0xe4: {  	v40 =	vadd.f32 v35, v34;
	v41 =	vld [tilespmem:$0x6B30];
	[tilespmem:$0x169B0] =	vst v31  }
0xe5: {  	v42 =	vadd.f32 v46, v36;
	v43 =	vld [tilespmem:$0xEB70];
	[tilespmem:$0x16A00] =	vst v38  }
0xe6: {  	v44 =	vadd.f32 v49, v47;
	v45 =	vld [tilespmem:$0x6B80];
	[tilespmem:$0x16A10] =	vst v40  }
0xe7: {  	v46 =	vadd.f32 v53, v51;
	v47 =	vld [tilespmem:$0xEBC0];
	[tilespmem:$0x16A20] =	vst v42  }
0xe8: {  	v49 =	vld [tilespmem:$0x6B90];
	[tilespmem:$0x16A30] =	vst v44;
	v48 =	vadd.f32 v57, v55  }
0xe9: {  	v51 =	vld [tilespmem:$0xEBD0];
	[tilespmem:$0x16A80] =	vst v46;
	v50 =	vadd.f32 v61, v59  }
0xea: {  	v53 =	vld [tilespmem:$0x6BA0];
	v58 =	vadd.f32 v39, v37;
	[tilespmem:$0x16A90] =	vst v48  }
0xeb: {  	v55 =	vld [tilespmem:$0xEBE0];
	[tilespmem:$0x16AA0] =	vst v50;
	v52 =	vadd.f32 v21, v63  }
0xec: {  	v57 =	vld [tilespmem:$0x6BB0];
	[tilespmem:$0x16B20] =	vst v58;
	v54 =	vadd.f32 v25, v23  }
0xed: {  	v59 =	vld [tilespmem:$0xEBF0];
	v56 =	vadd.f32 v29, v27;
	[tilespmem:$0x16AB0] =	vst v52  }
0xee: {  	v1 =	vadd.f32 v43, v41;
	[tilespmem:$0x16B00] =	vst v54  }
0xef: {  	v60 =	vadd.f32 v47, v45;
	[tilespmem:$0x16B10] =	vst v56  }
0xf0: {  	v61 =	vadd.f32 v51, v49;
	[tilespmem:$0x16B30] =	vst v1  }
0xf1: {  	[tilespmem:$0x16B80] =	vst v60;
	v62 =	vadd.f32 v55, v53  }
0xf2: {  	[tilespmem:$0x16B90] =	vst v61;
	v63 =	vadd.f32 v59, v57  }
0xf3: {  	[tilespmem:$0x16BA0] =	vst v62  }
0xf4: {  	s1 =	sadd.s32 $0x1, s1;
	[tilespmem:$0x16BB0] =	vst v63  }
0xf5: {  	[hbm4b:s10+s2] =	stream.linear.scatter [tilespmem:s25], [sflag:$0x7], $0x400, $0x38;
	[tilespmem:$0x1A800] =	vst v63  }
0xf6: {  	p0 =	sne.s32 s1, s11;
	_ =	swait.ge [sflag:s12], $0x400  }
.Ltmp5:
0xf7: {  	[sflag:s12] =	ssyncset.done $0x0;
	(pc) =	sbr.rel @p0 .LBB2_1-.Ltmp5, $4  }
0xf8: {  	[sflag:s12] =	ssyncadd.s32 $0xFFFFFC00  }
0xf9: {  	_ =	swait.ge [sflag:s26], $0x4000  }
0xfa: {  	[sflag:s26] =	ssyncset.done $0x0  }
0xfb: {  	[sflag:s26] =	ssyncadd.s32 $0xFFFFC000  }
0xfc: {  	_ =	sfence.sel $0x180000  }
0xfd: {  	[bflag:$0x0] =	sbarrier.arrive $0xFFFF  }
0xfe: {  	_ =	strace $0x90000047  }
0xff: {  	s0 =	stileid.u32;
	[bflag:$0x2] =	sbarrier.arrive $0xFFFF  }
0x100: {  	p0 =	sne.s32 s0, $0x0;
	s0 =	rddreg [dreg:$0x2]  }
0x101: {  	s0 =	sadd.s32 @!p0 $0x100000, s0  }
0x102: {  	[sflag:s0] =	ssyncadd.tile.s32 @!p0 $0x1;
	_ =	shalt  }
.Lfunc_end2:
_tile_overlayer_lowered:
.L_overlay_start_2:
0x103: {  	(tag) =	ssettag $0x2  }
0x104: {  	s0 =	rddreg [dreg:$0x0];
	s2 =	stileid.u32  }
0x105: {  	s1 =	rddreg [dreg:$0x1];
	p0 =	sne.s32 s2, $0x0  }
0x106: {  	s3 =	rddreg [dreg:$0x2];
	[bflag:$0x3] =	sbarrier.arrive $0xFFFF;
	s2 =	simm.s32 @!p0 $0x1C07  }
0x107: {  	[timem:s3], [sflag:s2] =	dma.local @!p0 [hbm:s0], s1  }
0x108: {  	s0 =	simm.s32 @!p0 $0x7  }
0x109: {  	_ =	swait.ge @!p0 [sflag:s0], s1  }
0x10a: {  	s1 =	ssub.s32 @!p0 $0x0, s1;
	[sflag:s0] =	ssyncset.done @!p0 $0x0  }
0x10b: {  	[sflag:s0] =	ssyncadd.s32 @!p0 s1  }
0x10c: {  	[bflag:$0x3] =	sbarrier.arrive $0xFFFF  }
0x10d: {  	_ =	shalt  }

</sc_bundles>
